<compile_context>
chip_gen: v7x
topology: tpu7x:2x2x1
jax: 0.10.2.dev20260603
libtpu: 0.0.44.dev20260713+nightly
codegen_flags: <defaults>
</compile_context>

<pallas_src>
import jax
import jax.numpy as jnp
from jax import lax
from jax.experimental import pallas as pl
from jax.experimental.pallas import tpu as pltpu
from jax.experimental.pallas import tpu_sc as plsc

_GAMMA = 12.0
_NE = 1000
_D = 128
_B = 16384
_NC = 2
_NS = 16
_NW = _NC * _NS
_PT = _B // _NW
_CH = 64
_NCH = _PT // _CH
_L = 16
_VPS = _D // _L


_RT = 2 * _NE // _NS


def _body(sample_hbm, ent_hbm, rel_hbm, out_hbm,
          samp_v, h_v, r_v, hbuf, rbuf, ubuf, out_v, tmp_v,
          pk_v, tab_sh, sems):
    c = lax.axis_index("c")
    s = lax.axis_index("s")
    wid = s * _NC + c
    base = wid * _PT

    rbase = s * _RT

    @pl.when(s < _NS // 2)
    def _():
        pltpu.sync_copy(ent_hbm.at[pl.ds(rbase, _RT), :], tmp_v)

    @pl.when(s >= _NS // 2)
    def _():
        pltpu.sync_copy(rel_hbm.at[pl.ds(rbase - _NE, _RT), :], tmp_v)

    iota2 = lax.iota(jnp.int32, _L) * 2

    def pack_row(rr, carry):
        rsplat = jnp.zeros((_L,), jnp.int32) + rr
        for d0 in range(0, _D, 2 * _L):
            a = plsc.load_gather(tmp_v, [rsplat, iota2 + d0])
            b = plsc.load_gather(tmp_v, [rsplat, iota2 + (d0 + 1)])
            w = plsc.pack(a, b, format=plsc.PackFormat.INTERLEAVED)
            pk_v[rr, pl.ds(d0 // 2, _L)] = plsc.bitcast(w, jnp.int32)
        return carry

    lax.fori_loop(0, _RT, pack_row, 0, unroll=2)
    pltpu.sync_copy(pk_v, tab_sh.at[pl.ds(rbase, _RT), :])

    pltpu.sync_copy(sample_hbm.at[:, pl.ds(base, _PT)], samp_v)
    iota = lax.iota(jnp.int32, _L)
    zero = jnp.zeros((_L,), jnp.int32)

    def split(v, carry):
        cols = iota + v * _L
        cb = lax.div(v, 4) * (2 * _CH) + lax.rem(v, 4) * _L
        h_v[pl.ds(cb, _L)] = plsc.load_gather(samp_v, [zero, cols])
        h_v[pl.ds(cb + _CH, _L)] = plsc.load_gather(samp_v, [zero + 2, cols])
        r_v[pl.ds(v * _L, _L)] = plsc.load_gather(samp_v, [zero + 1, cols]) + _NE
        return carry

    lax.fori_loop(0, _PT // _L, split, 0)

    def fire(k, slot):
        pltpu.async_copy(tab_sh.at[h_v.at[pl.ds(k * 2 * _CH, 2 * _CH)]],
                         hbuf.at[slot], sems.at[slot, 0])
        pltpu.async_copy(tab_sh.at[r_v.at[pl.ds(k * _CH, _CH)]],
                         rbuf.at[slot], sems.at[slot, 1])

    plsc.subcore_barrier()
    fire(0, 0)

    def chunk_body(k, carry):
        slot = lax.rem(k, 2)

        @pl.when(k + 1 < _NCH)
        def _():
            fire(k + 1, 1 - slot)

        pltpu.make_async_copy(tab_sh.at[pl.ds(0, 2 * _CH)],
                              hbuf.at[slot], sems.at[slot, 0]).wait()
        pltpu.make_async_copy(tab_sh.at[pl.ds(0, _CH)],
                              rbuf.at[slot], sems.at[slot, 1]).wait()

        def sample_body(j, carry2):
            terms = []
            for v in range(_D // 32):
                e2 = plsc.bitcast(hbuf[slot, j, pl.ds(v * _L, _L)], jnp.bfloat16)
                r2 = plsc.bitcast(rbuf[slot, j, pl.ds(v * _L, _L)], jnp.bfloat16)
                t2 = plsc.bitcast(hbuf[slot, _CH + j, pl.ds(v * _L, _L)],
                                  jnp.bfloat16)
                u2 = jnp.abs(e2 + r2 - t2)
                ua, ub = plsc.unpack(u2, format=plsc.PackFormat.INTERLEAVED)
                terms.append(ua)
                terms.append(ub)
            while len(terms) > 1:
                terms = [terms[i] + terms[i + 1]
                         for i in range(0, len(terms), 2)]
            ubuf[pl.ds(j * 17, _L)] = terms[0]
            return carry2

        lax.fori_loop(0, _CH, sample_body, 0, unroll=2)

        iota17 = lax.iota(jnp.int32, _L) * 17

        def red_body(gi, carry2):
            cols = [plsc.load_gather(ubuf, [iota17 + (gi * _L * 17 + j)])
                    for j in range(_L)]
            while len(cols) > 1:
                cols = [cols[i] + cols[i + 1] for i in range(0, len(cols), 2)]
            out_v[pl.ds(k * _CH + gi * _L, _L)] = jnp.float32(_GAMMA) - cols[0]
            return carry2

        lax.fori_loop(0, _CH // _L, red_body, 0)
        return carry

    lax.fori_loop(0, _NCH, chunk_body, 0)

    pltpu.sync_copy(out_v, out_hbm.at[pl.ds(base, _PT)])


def kernel(sample, entity_embedding, relation_embedding):
    mesh = plsc.VectorSubcoreMesh(core_axis_name="c", subcore_axis_name="s")
    call = pl.kernel(
        _body,
        out_type=jax.ShapeDtypeStruct((_B,), jnp.float32),
        mesh=mesh,
        compiler_params=pltpu.CompilerParams(
            needs_layout_passes=False, use_tc_tiling_on_sc=False),
        scratch_types=[
            pltpu.VMEM((3, _PT), jnp.int32),
            pltpu.VMEM((2 * _PT,), jnp.int32),
            pltpu.VMEM((_PT,), jnp.int32),
            pltpu.VMEM((2, 2 * _CH, _D // 2), jnp.int32),
            pltpu.VMEM((2, _CH, _D // 2), jnp.int32),
            pltpu.VMEM((_CH * 17,), jnp.float32),
            pltpu.VMEM((_PT,), jnp.float32),
            pltpu.VMEM((_RT, _D), jnp.float32),
            pltpu.VMEM((_RT, _D // 2), jnp.int32),
            pltpu.VMEM_SHARED((2 * _NE, _D // 2), jnp.int32),
            pltpu.SemaphoreType.DMA((2, 3)),
        ],
    )
    score = call(sample.T, entity_embedding, relation_embedding)
    return score.reshape(_B, 1)

# --- scband reference (transcript-rebuilt; emitter-appended) ---
"""Pipeline reference for scband-kg4-ex-15152644620341 (READ-ONLY COPY).

The authoritative reference and input builder live on the scoring server;
editing this copy changes nothing except your own understanding.
"""

import jax, jax.numpy as jnp
import numpy as np

NUM_ENTITY = 1000
NUM_RELATION = 1000
DIM = 128
BATCH = 16384
GAMMA = 12.0
EPSILON = 2.0
EMB_RANGE = (GAMMA + EPSILON) / DIM


def setup_inputs(seed: int = 0) -> dict:
    key = jax.random.key(seed)
    k1, k2, k3 = jax.random.split(key, 3)
    sample = jax.random.randint(k1, (BATCH, 3), 0, NUM_ENTITY, dtype=jnp.int32)
    entity_embedding = jax.random.uniform(k2, (NUM_ENTITY, DIM), dtype=jnp.float32, minval=-EMB_RANGE, maxval=EMB_RANGE)
    relation_embedding = jax.random.uniform(k3, (NUM_RELATION, DIM), dtype=jnp.float32, minval=-EMB_RANGE, maxval=EMB_RANGE)
    return {"sample": sample, "entity_embedding": entity_embedding, "relation_embedding": relation_embedding}


def reference(sample, entity_embedding, relation_embedding):
    # mode == 'single': gather head/relation/tail rows, TransE score
    head = jnp.take(entity_embedding, sample[:, 0], axis=0)[:, None, :]
    relation = jnp.take(relation_embedding, sample[:, 1], axis=0)[:, None, :]
    tail = jnp.take(entity_embedding, sample[:, 2], axis=0)[:, None, :]
    # TransE: gamma - ||head + relation - tail||_1 along dim=2 -> [BATCH, 1]
    score = GAMMA - jnp.sum(jnp.abs(head + relation - tail), axis=2)
    return score

if __name__ == "__main__":
    import jax
    _d = setup_inputs()
    print(jax.jit(kernel)(*tuple(_d.values())))

</pallas_src>

<mosaic_0001>
#map = affine_map<(d0, d1) -> (0, 0)>
#map1 = affine_map<(d0, d1) -> (0)>
module attributes {stable_mosaic.version = 14 : i64} {
  func.func @_body(%arg0: i32, %arg1: i32, %arg2: memref<3x16384xi32, #tpu.memory_space<hbm>>, %arg3: memref<1000x128xf32, #tpu.memory_space<hbm>>, %arg4: memref<1000x128xf32, #tpu.memory_space<hbm>>, %arg5: memref<16384xf32, #tpu.memory_space<hbm>>, %arg6: memref<3x512xi32, #tpu.memory_space<vmem>>, %arg7: memref<1024xi32, #tpu.memory_space<vmem>>, %arg8: memref<512xi32, #tpu.memory_space<vmem>>, %arg9: memref<2x128x64xi32, #tpu.memory_space<vmem>>, %arg10: memref<2x64x64xi32, #tpu.memory_space<vmem>>, %arg11: memref<1088xf32, #tpu.memory_space<vmem>>, %arg12: memref<512xf32, #tpu.memory_space<vmem>>, %arg13: memref<125x128xf32, #tpu.memory_space<vmem>>, %arg14: memref<125x64xi32, #tpu.memory_space<vmem>>, %arg15: memref<2000x64xi32, #tpu.memory_space<vmem_shared>>, %arg16: memref<2x3x!tpu.dma_semaphore, #tpu.memory_space<semaphore_mem>>) attributes {dimension_semantics = [#tpu.dimension_semantics<core_parallel>, #tpu.dimension_semantics<subcore_parallel>], iteration_bounds = array<i64: 2, 16>, scalar_prefetch = 0 : i64, scratch_operands = 11 : i64, tpu.core_type = #tpu.core_type<sc_vector_subcore>, window_params = [{transform_indices = #map}, {transform_indices = #map}, {transform_indices = #map}, {transform_indices = #map1}]} {
    %mul3A = arith.constant 2 : i32
    %mul3A_0 = arith.muli %arg1, %mul3A : i32
    %add3A = arith.addi %mul3A_0, %arg0 : i32
    %mul3A_1 = arith.constant 512 : i32
    %mul3A_2 = arith.muli %add3A, %mul3A_1 : i32
    %mul3A_3 = arith.constant 125 : i32
    %mul3A_4 = arith.muli %arg1, %mul3A_3 : i32
    %lt3A = arith.constant 8 : i32
    %lt3A_5 = arith.cmpi slt, %arg1, %lt3A : i32
    %convert_element_type3A = arith.extui %lt3A_5 : i1 to i32
    %cond3A = arith.constant 0 : i32
    %cond3A_6 = arith.cmpi ne, %convert_element_type3A, %cond3A : i32
    scf.if %cond3A_6 {
      "tpu.region"() ({
        %run_scoped3A = tpu.sem_alloc : memref<!tpu.dma_semaphore, #tpu.memory_space<semaphore_mem>>
        %dma_start3A_114 = arith.constant 0 : i32
        %dma_start3A_115 = tpu.memref_slice %arg3[%mul3A_4, %dma_start3A_114] : memref<1000x128xf32, #tpu.memory_space<hbm>> -> memref<125x128xf32, #tpu.memory_space<hbm>>
        %dma_start3A_116 = arith.constant 0 : i32
        %dma_start3A_117 = tpu.memref_slice %arg3[%mul3A_4, %dma_start3A_116] : memref<1000x128xf32, #tpu.memory_space<hbm>> -> memref<125x128xf32, #tpu.memory_space<hbm>>
        tpu.enqueue_dma source(%dma_start3A_117 : memref<125x128xf32, #tpu.memory_space<hbm>>) target(%arg13 : memref<125x128xf32, #tpu.memory_space<vmem>>) target_semaphore(%run_scoped3A : memref<!tpu.dma_semaphore, #tpu.memory_space<semaphore_mem>>)
        %dma_wait3A = arith.constant 0 : i32
        %dma_wait3A_118 = tpu.memref_slice %arg3[%mul3A_4, %dma_wait3A] : memref<1000x128xf32, #tpu.memory_space<hbm>> -> memref<125x128xf32, #tpu.memory_space<hbm>>
        %dma_wait3A_119 = arith.constant 0 : i32
        %dma_wait3A_120 = tpu.memref_slice %arg3[%mul3A_4, %dma_wait3A_119] : memref<1000x128xf32, #tpu.memory_space<hbm>> -> memref<125x128xf32, #tpu.memory_space<hbm>>
        tpu.wait_dma2 semaphore(%run_scoped3A : memref<!tpu.dma_semaphore, #tpu.memory_space<semaphore_mem>>) src(%dma_wait3A_120 : memref<125x128xf32, #tpu.memory_space<hbm>>) dst(%arg13 : memref<125x128xf32, #tpu.memory_space<vmem>>)
        tpu.yield
      }) : () -> ()
    } else {
    }
    %ge3A = arith.constant 8 : i32
    %ge3A_7 = arith.cmpi sge, %arg1, %ge3A : i32
    %convert_element_type3A_8 = arith.extui %ge3A_7 : i1 to i32
    %cond3A_9 = arith.constant 0 : i32
    %cond3A_10 = arith.cmpi ne, %convert_element_type3A_8, %cond3A_9 : i32
    scf.if %cond3A_10 {
      %sub3A = arith.constant 1000 : i32
      %sub3A_114 = arith.subi %mul3A_4, %sub3A : i32
      "tpu.region"() ({
        %run_scoped3A = tpu.sem_alloc : memref<!tpu.dma_semaphore, #tpu.memory_space<semaphore_mem>>
        %dma_start3A_115 = arith.constant 0 : i32
        %dma_start3A_116 = tpu.memref_slice %arg4[%sub3A_114, %dma_start3A_115] : memref<1000x128xf32, #tpu.memory_space<hbm>> -> memref<125x128xf32, #tpu.memory_space<hbm>>
        %dma_start3A_117 = arith.constant 0 : i32
        %dma_start3A_118 = tpu.memref_slice %arg4[%sub3A_114, %dma_start3A_117] : memref<1000x128xf32, #tpu.memory_space<hbm>> -> memref<125x128xf32, #tpu.memory_space<hbm>>
        tpu.enqueue_dma source(%dma_start3A_118 : memref<125x128xf32, #tpu.memory_space<hbm>>) target(%arg13 : memref<125x128xf32, #tpu.memory_space<vmem>>) target_semaphore(%run_scoped3A : memref<!tpu.dma_semaphore, #tpu.memory_space<semaphore_mem>>)
        %dma_wait3A = arith.constant 0 : i32
        %dma_wait3A_119 = tpu.memref_slice %arg4[%sub3A_114, %dma_wait3A] : memref<1000x128xf32, #tpu.memory_space<hbm>> -> memref<125x128xf32, #tpu.memory_space<hbm>>
        %dma_wait3A_120 = arith.constant 0 : i32
        %dma_wait3A_121 = tpu.memref_slice %arg4[%sub3A_114, %dma_wait3A_120] : memref<1000x128xf32, #tpu.memory_space<hbm>> -> memref<125x128xf32, #tpu.memory_space<hbm>>
        tpu.wait_dma2 semaphore(%run_scoped3A : memref<!tpu.dma_semaphore, #tpu.memory_space<semaphore_mem>>) src(%dma_wait3A_121 : memref<125x128xf32, #tpu.memory_space<hbm>>) dst(%arg13 : memref<125x128xf32, #tpu.memory_space<vmem>>)
        tpu.yield
      }) : () -> ()
    } else {
    }
    %iota3A = tpu.iota {dimensions = array<i32: 0>} : vector<16xi32>
    %mul3A_11 = arith.constant 2 : i32
    %mul3A_12 = vector.broadcast %mul3A_11 : i32 to vector<16xi32>
    %mul3A_13 = arith.muli %iota3A, %mul3A_12 : vector<16xi32>
    %scan3A = arith.constant 0 : i32
    %scan3A_14 = arith.constant 0 : i32
    %scan3A_15 = arith.constant 124 : i32
    %scan3A_16 = arith.addi %scan3A_14, %scan3A_15 : i32
    %scan3A_17 = arith.constant 2 : i32
    scf.for %scan3A_114 = %scan3A_14 to %scan3A_16 step %scan3A_17  : i32 {
      %broadcast_in_dim3A_115 = arith.constant 0 : i32
      %broadcast_in_dim3A_116 = vector.broadcast %broadcast_in_dim3A_115 : i32 to vector<16xi32>
      %add3A_117 = vector.broadcast %scan3A_114 : i32 to vector<16xi32>
      %add3A_118 = arith.addi %broadcast_in_dim3A_116, %add3A_117 : vector<16xi32>
      %add3A_119 = arith.constant 0 : i32
      %add3A_120 = vector.broadcast %add3A_119 : i32 to vector<16xi32>
      %add3A_121 = arith.addi %mul3A_13, %add3A_120 : vector<16xi32>
      %gather3A_122 = tpu.vector_load_idx %arg13[%add3A_118, %add3A_121] : memref<125x128xf32, #tpu.memory_space<vmem>>[vector<16xi32>, vector<16xi32>], vector<16xf32>,
      %add3A_123 = arith.constant 1 : i32
      %add3A_124 = vector.broadcast %add3A_123 : i32 to vector<16xi32>
      %add3A_125 = arith.addi %mul3A_13, %add3A_124 : vector<16xi32>
      %gather3A_126 = tpu.vector_load_idx %arg13[%add3A_118, %add3A_125] : memref<125x128xf32, #tpu.memory_space<vmem>>[vector<16xi32>, vector<16xi32>], vector<16xf32>,
      %pack3A_127 = tpu.pack_subelements %gather3A_122, %gather3A_126 {pack_format = #tpu.pack_format<interleaved>, positions = array<i32: 0, 1>} : vector<16xf32>, vector<16xf32> -> vector<32xbf16>
      %bitcast3A_128 = vector.bitcast %pack3A_127 : vector<32xbf16> to vector<16xi32>
      %swap3A_129 = arith.index_cast %scan3A_114 : i32 to index
      %swap3A_130 = arith.constant 0 : index
      %swap3A_131 = tpu.vector_load %arg14[%swap3A_129, %swap3A_130] {strides = array<i32>} : memref<125x64xi32, #tpu.memory_space<vmem>>, vector<16xi32>,
      tpu.vector_store %arg14[%swap3A_129, %swap3A_130], %bitcast3A_128 {strides = array<i32>} : memref<125x64xi32, #tpu.memory_space<vmem>>, vector<16xi32>,
      %add3A_132 = arith.constant 32 : i32
      %add3A_133 = vector.broadcast %add3A_132 : i32 to vector<16xi32>
      %add3A_134 = arith.addi %mul3A_13, %add3A_133 : vector<16xi32>
      %gather3A_135 = tpu.vector_load_idx %arg13[%add3A_118, %add3A_134] : memref<125x128xf32, #tpu.memory_space<vmem>>[vector<16xi32>, vector<16xi32>], vector<16xf32>,
      %add3A_136 = arith.constant 33 : i32
      %add3A_137 = vector.broadcast %add3A_136 : i32 to vector<16xi32>
      %add3A_138 = arith.addi %mul3A_13, %add3A_137 : vector<16xi32>
      %gather3A_139 = tpu.vector_load_idx %arg13[%add3A_118, %add3A_138] : memref<125x128xf32, #tpu.memory_space<vmem>>[vector<16xi32>, vector<16xi32>], vector<16xf32>,
      %pack3A_140 = tpu.pack_subelements %gather3A_135, %gather3A_139 {pack_format = #tpu.pack_format<interleaved>, positions = array<i32: 0, 1>} : vector<16xf32>, vector<16xf32> -> vector<32xbf16>
      %bitcast3A_141 = vector.bitcast %pack3A_140 : vector<32xbf16> to vector<16xi32>
      %swap3A_142 = arith.index_cast %scan3A_114 : i32 to index
      %swap3A_143 = arith.constant 16 : index
      %swap3A_144 = tpu.vector_load %arg14[%swap3A_142, %swap3A_143] {strides = array<i32>} : memref<125x64xi32, #tpu.memory_space<vmem>>, vector<16xi32>,
      tpu.vector_store %arg14[%swap3A_142, %swap3A_143], %bitcast3A_141 {strides = array<i32>} : memref<125x64xi32, #tpu.memory_space<vmem>>, vector<16xi32>,
      %add3A_145 = arith.constant 64 : i32
      %add3A_146 = vector.broadcast %add3A_145 : i32 to vector<16xi32>
      %add3A_147 = arith.addi %mul3A_13, %add3A_146 : vector<16xi32>
      %gather3A_148 = tpu.vector_load_idx %arg13[%add3A_118, %add3A_147] : memref<125x128xf32, #tpu.memory_space<vmem>>[vector<16xi32>, vector<16xi32>], vector<16xf32>,
      %add3A_149 = arith.constant 65 : i32
      %add3A_150 = vector.broadcast %add3A_149 : i32 to vector<16xi32>
      %add3A_151 = arith.addi %mul3A_13, %add3A_150 : vector<16xi32>
      %gather3A_152 = tpu.vector_load_idx %arg13[%add3A_118, %add3A_151] : memref<125x128xf32, #tpu.memory_space<vmem>>[vector<16xi32>, vector<16xi32>], vector<16xf32>,
      %pack3A_153 = tpu.pack_subelements %gather3A_148, %gather3A_152 {pack_format = #tpu.pack_format<interleaved>, positions = array<i32: 0, 1>} : vector<16xf32>, vector<16xf32> -> vector<32xbf16>
      %bitcast3A_154 = vector.bitcast %pack3A_153 : vector<32xbf16> to vector<16xi32>
      %swap3A_155 = arith.index_cast %scan3A_114 : i32 to index
      %swap3A_156 = arith.constant 32 : index
      %swap3A_157 = tpu.vector_load %arg14[%swap3A_155, %swap3A_156] {strides = array<i32>} : memref<125x64xi32, #tpu.memory_space<vmem>>, vector<16xi32>,
      tpu.vector_store %arg14[%swap3A_155, %swap3A_156], %bitcast3A_154 {strides = array<i32>} : memref<125x64xi32, #tpu.memory_space<vmem>>, vector<16xi32>,
      %add3A_158 = arith.constant 96 : i32
      %add3A_159 = vector.broadcast %add3A_158 : i32 to vector<16xi32>
      %add3A_160 = arith.addi %mul3A_13, %add3A_159 : vector<16xi32>
      %gather3A_161 = tpu.vector_load_idx %arg13[%add3A_118, %add3A_160] : memref<125x128xf32, #tpu.memory_space<vmem>>[vector<16xi32>, vector<16xi32>], vector<16xf32>,
      %add3A_162 = arith.constant 97 : i32
      %add3A_163 = vector.broadcast %add3A_162 : i32 to vector<16xi32>
      %add3A_164 = arith.addi %mul3A_13, %add3A_163 : vector<16xi32>
      %gather3A_165 = tpu.vector_load_idx %arg13[%add3A_118, %add3A_164] : memref<125x128xf32, #tpu.memory_space<vmem>>[vector<16xi32>, vector<16xi32>], vector<16xf32>,
      %pack3A_166 = tpu.pack_subelements %gather3A_161, %gather3A_165 {pack_format = #tpu.pack_format<interleaved>, positions = array<i32: 0, 1>} : vector<16xf32>, vector<16xf32> -> vector<32xbf16>
      %bitcast3A_167 = vector.bitcast %pack3A_166 : vector<32xbf16> to vector<16xi32>
      %swap3A_168 = arith.index_cast %scan3A_114 : i32 to index
      %swap3A_169 = arith.constant 48 : index
      %swap3A_170 = tpu.vector_load %arg14[%swap3A_168, %swap3A_169] {strides = array<i32>} : memref<125x64xi32, #tpu.memory_space<vmem>>, vector<16xi32>,
      tpu.vector_store %arg14[%swap3A_168, %swap3A_169], %bitcast3A_167 {strides = array<i32>} : memref<125x64xi32, #tpu.memory_space<vmem>>, vector<16xi32>,
      %scan3A_171 = arith.constant 1 : i32
      %scan3A_172 = arith.addi %scan3A_114, %scan3A_171 : i32
      %broadcast_in_dim3A_173 = arith.constant 0 : i32
      %broadcast_in_dim3A_174 = vector.broadcast %broadcast_in_dim3A_173 : i32 to vector<16xi32>
      %add3A_175 = vector.broadcast %scan3A_172 : i32 to vector<16xi32>
      %add3A_176 = arith.addi %broadcast_in_dim3A_174, %add3A_175 : vector<16xi32>
      %add3A_177 = arith.constant 0 : i32
      %add3A_178 = vector.broadcast %add3A_177 : i32 to vector<16xi32>
      %add3A_179 = arith.addi %mul3A_13, %add3A_178 : vector<16xi32>
      %gather3A_180 = tpu.vector_load_idx %arg13[%add3A_176, %add3A_179] : memref<125x128xf32, #tpu.memory_space<vmem>>[vector<16xi32>, vector<16xi32>], vector<16xf32>,
      %add3A_181 = arith.constant 1 : i32
      %add3A_182 = vector.broadcast %add3A_181 : i32 to vector<16xi32>
      %add3A_183 = arith.addi %mul3A_13, %add3A_182 : vector<16xi32>
      %gather3A_184 = tpu.vector_load_idx %arg13[%add3A_176, %add3A_183] : memref<125x128xf32, #tpu.memory_space<vmem>>[vector<16xi32>, vector<16xi32>], vector<16xf32>,
      %pack3A_185 = tpu.pack_subelements %gather3A_180, %gather3A_184 {pack_format = #tpu.pack_format<interleaved>, positions = array<i32: 0, 1>} : vector<16xf32>, vector<16xf32> -> vector<32xbf16>
      %bitcast3A_186 = vector.bitcast %pack3A_185 : vector<32xbf16> to vector<16xi32>
      %swap3A_187 = arith.index_cast %scan3A_172 : i32 to index
      %swap3A_188 = arith.constant 0 : index
      %swap3A_189 = tpu.vector_load %arg14[%swap3A_187, %swap3A_188] {strides = array<i32>} : memref<125x64xi32, #tpu.memory_space<vmem>>, vector<16xi32>,
      tpu.vector_store %arg14[%swap3A_187, %swap3A_188], %bitcast3A_186 {strides = array<i32>} : memref<125x64xi32, #tpu.memory_space<vmem>>, vector<16xi32>,
      %add3A_190 = arith.constant 32 : i32
      %add3A_191 = vector.broadcast %add3A_190 : i32 to vector<16xi32>
      %add3A_192 = arith.addi %mul3A_13, %add3A_191 : vector<16xi32>
      %gather3A_193 = tpu.vector_load_idx %arg13[%add3A_176, %add3A_192] : memref<125x128xf32, #tpu.memory_space<vmem>>[vector<16xi32>, vector<16xi32>], vector<16xf32>,
      %add3A_194 = arith.constant 33 : i32
      %add3A_195 = vector.broadcast %add3A_194 : i32 to vector<16xi32>
      %add3A_196 = arith.addi %mul3A_13, %add3A_195 : vector<16xi32>
      %gather3A_197 = tpu.vector_load_idx %arg13[%add3A_176, %add3A_196] : memref<125x128xf32, #tpu.memory_space<vmem>>[vector<16xi32>, vector<16xi32>], vector<16xf32>,
      %pack3A_198 = tpu.pack_subelements %gather3A_193, %gather3A_197 {pack_format = #tpu.pack_format<interleaved>, positions = array<i32: 0, 1>} : vector<16xf32>, vector<16xf32> -> vector<32xbf16>
      %bitcast3A_199 = vector.bitcast %pack3A_198 : vector<32xbf16> to vector<16xi32>
      %swap3A_200 = arith.index_cast %scan3A_172 : i32 to index
      %swap3A_201 = arith.constant 16 : index
      %swap3A_202 = tpu.vector_load %arg14[%swap3A_200, %swap3A_201] {strides = array<i32>} : memref<125x64xi32, #tpu.memory_space<vmem>>, vector<16xi32>,
      tpu.vector_store %arg14[%swap3A_200, %swap3A_201], %bitcast3A_199 {strides = array<i32>} : memref<125x64xi32, #tpu.memory_space<vmem>>, vector<16xi32>,
      %add3A_203 = arith.constant 64 : i32
      %add3A_204 = vector.broadcast %add3A_203 : i32 to vector<16xi32>
      %add3A_205 = arith.addi %mul3A_13, %add3A_204 : vector<16xi32>
      %gather3A_206 = tpu.vector_load_idx %arg13[%add3A_176, %add3A_205] : memref<125x128xf32, #tpu.memory_space<vmem>>[vector<16xi32>, vector<16xi32>], vector<16xf32>,
      %add3A_207 = arith.constant 65 : i32
      %add3A_208 = vector.broadcast %add3A_207 : i32 to vector<16xi32>
      %add3A_209 = arith.addi %mul3A_13, %add3A_208 : vector<16xi32>
      %gather3A_210 = tpu.vector_load_idx %arg13[%add3A_176, %add3A_209] : memref<125x128xf32, #tpu.memory_space<vmem>>[vector<16xi32>, vector<16xi32>], vector<16xf32>,
      %pack3A_211 = tpu.pack_subelements %gather3A_206, %gather3A_210 {pack_format = #tpu.pack_format<interleaved>, positions = array<i32: 0, 1>} : vector<16xf32>, vector<16xf32> -> vector<32xbf16>
      %bitcast3A_212 = vector.bitcast %pack3A_211 : vector<32xbf16> to vector<16xi32>
      %swap3A_213 = arith.index_cast %scan3A_172 : i32 to index
      %swap3A_214 = arith.constant 32 : index
      %swap3A_215 = tpu.vector_load %arg14[%swap3A_213, %swap3A_214] {strides = array<i32>} : memref<125x64xi32, #tpu.memory_space<vmem>>, vector<16xi32>,
      tpu.vector_store %arg14[%swap3A_213, %swap3A_214], %bitcast3A_212 {strides = array<i32>} : memref<125x64xi32, #tpu.memory_space<vmem>>, vector<16xi32>,
      %add3A_216 = arith.constant 96 : i32
      %add3A_217 = vector.broadcast %add3A_216 : i32 to vector<16xi32>
      %add3A_218 = arith.addi %mul3A_13, %add3A_217 : vector<16xi32>
      %gather3A_219 = tpu.vector_load_idx %arg13[%add3A_176, %add3A_218] : memref<125x128xf32, #tpu.memory_space<vmem>>[vector<16xi32>, vector<16xi32>], vector<16xf32>,
      %add3A_220 = arith.constant 97 : i32
      %add3A_221 = vector.broadcast %add3A_220 : i32 to vector<16xi32>
      %add3A_222 = arith.addi %mul3A_13, %add3A_221 : vector<16xi32>
      %gather3A_223 = tpu.vector_load_idx %arg13[%add3A_176, %add3A_222] : memref<125x128xf32, #tpu.memory_space<vmem>>[vector<16xi32>, vector<16xi32>], vector<16xf32>,
      %pack3A_224 = tpu.pack_subelements %gather3A_219, %gather3A_223 {pack_format = #tpu.pack_format<interleaved>, positions = array<i32: 0, 1>} : vector<16xf32>, vector<16xf32> -> vector<32xbf16>
      %bitcast3A_225 = vector.bitcast %pack3A_224 : vector<32xbf16> to vector<16xi32>
      %swap3A_226 = arith.index_cast %scan3A_172 : i32 to index
      %swap3A_227 = arith.constant 48 : index
      %swap3A_228 = tpu.vector_load %arg14[%swap3A_226, %swap3A_227] {strides = array<i32>} : memref<125x64xi32, #tpu.memory_space<vmem>>, vector<16xi32>,
      tpu.vector_store %arg14[%swap3A_226, %swap3A_227], %bitcast3A_225 {strides = array<i32>} : memref<125x64xi32, #tpu.memory_space<vmem>>, vector<16xi32>,
    }
    %scan3A_18 = arith.constant 124 : i32
    %scan3A_19 = arith.addi %scan3A_14, %scan3A_18 : i32
    %broadcast_in_dim3A = arith.constant 0 : i32
    %broadcast_in_dim3A_20 = vector.broadcast %broadcast_in_dim3A : i32 to vector<16xi32>
    %add3A_21 = vector.broadcast %scan3A_19 : i32 to vector<16xi32>
    %add3A_22 = arith.addi %broadcast_in_dim3A_20, %add3A_21 : vector<16xi32>
    %add3A_23 = arith.constant 0 : i32
    %add3A_24 = vector.broadcast %add3A_23 : i32 to vector<16xi32>
    %add3A_25 = arith.addi %mul3A_13, %add3A_24 : vector<16xi32>
    %gather3A = tpu.vector_load_idx %arg13[%add3A_22, %add3A_25] : memref<125x128xf32, #tpu.memory_space<vmem>>[vector<16xi32>, vector<16xi32>], vector<16xf32>,
    %add3A_26 = arith.constant 1 : i32
    %add3A_27 = vector.broadcast %add3A_26 : i32 to vector<16xi32>
    %add3A_28 = arith.addi %mul3A_13, %add3A_27 : vector<16xi32>
    %gather3A_29 = tpu.vector_load_idx %arg13[%add3A_22, %add3A_28] : memref<125x128xf32, #tpu.memory_space<vmem>>[vector<16xi32>, vector<16xi32>], vector<16xf32>,
    %pack3A = tpu.pack_subelements %gather3A, %gather3A_29 {pack_format = #tpu.pack_format<interleaved>, positions = array<i32: 0, 1>} : vector<16xf32>, vector<16xf32> -> vector<32xbf16>
    %bitcast3A = vector.bitcast %pack3A : vector<32xbf16> to vector<16xi32>
    %swap3A = arith.index_cast %scan3A_19 : i32 to index
    %swap3A_30 = arith.constant 0 : index
    %swap3A_31 = tpu.vector_load %arg14[%swap3A, %swap3A_30] {strides = array<i32>} : memref<125x64xi32, #tpu.memory_space<vmem>>, vector<16xi32>,
    tpu.vector_store %arg14[%swap3A, %swap3A_30], %bitcast3A {strides = array<i32>} : memref<125x64xi32, #tpu.memory_space<vmem>>, vector<16xi32>,
    %add3A_32 = arith.constant 32 : i32
    %add3A_33 = vector.broadcast %add3A_32 : i32 to vector<16xi32>
    %add3A_34 = arith.addi %mul3A_13, %add3A_33 : vector<16xi32>
    %gather3A_35 = tpu.vector_load_idx %arg13[%add3A_22, %add3A_34] : memref<125x128xf32, #tpu.memory_space<vmem>>[vector<16xi32>, vector<16xi32>], vector<16xf32>,
    %add3A_36 = arith.constant 33 : i32
    %add3A_37 = vector.broadcast %add3A_36 : i32 to vector<16xi32>
    %add3A_38 = arith.addi %mul3A_13, %add3A_37 : vector<16xi32>
    %gather3A_39 = tpu.vector_load_idx %arg13[%add3A_22, %add3A_38] : memref<125x128xf32, #tpu.memory_space<vmem>>[vector<16xi32>, vector<16xi32>], vector<16xf32>,
    %pack3A_40 = tpu.pack_subelements %gather3A_35, %gather3A_39 {pack_format = #tpu.pack_format<interleaved>, positions = array<i32: 0, 1>} : vector<16xf32>, vector<16xf32> -> vector<32xbf16>
    %bitcast3A_41 = vector.bitcast %pack3A_40 : vector<32xbf16> to vector<16xi32>
    %swap3A_42 = arith.index_cast %scan3A_19 : i32 to index
    %swap3A_43 = arith.constant 16 : index
    %swap3A_44 = tpu.vector_load %arg14[%swap3A_42, %swap3A_43] {strides = array<i32>} : memref<125x64xi32, #tpu.memory_space<vmem>>, vector<16xi32>,
    tpu.vector_store %arg14[%swap3A_42, %swap3A_43], %bitcast3A_41 {strides = array<i32>} : memref<125x64xi32, #tpu.memory_space<vmem>>, vector<16xi32>,
    %add3A_45 = arith.constant 64 : i32
    %add3A_46 = vector.broadcast %add3A_45 : i32 to vector<16xi32>
    %add3A_47 = arith.addi %mul3A_13, %add3A_46 : vector<16xi32>
    %gather3A_48 = tpu.vector_load_idx %arg13[%add3A_22, %add3A_47] : memref<125x128xf32, #tpu.memory_space<vmem>>[vector<16xi32>, vector<16xi32>], vector<16xf32>,
    %add3A_49 = arith.constant 65 : i32
    %add3A_50 = vector.broadcast %add3A_49 : i32 to vector<16xi32>
    %add3A_51 = arith.addi %mul3A_13, %add3A_50 : vector<16xi32>
    %gather3A_52 = tpu.vector_load_idx %arg13[%add3A_22, %add3A_51] : memref<125x128xf32, #tpu.memory_space<vmem>>[vector<16xi32>, vector<16xi32>], vector<16xf32>,
    %pack3A_53 = tpu.pack_subelements %gather3A_48, %gather3A_52 {pack_format = #tpu.pack_format<interleaved>, positions = array<i32: 0, 1>} : vector<16xf32>, vector<16xf32> -> vector<32xbf16>
    %bitcast3A_54 = vector.bitcast %pack3A_53 : vector<32xbf16> to vector<16xi32>
    %swap3A_55 = arith.index_cast %scan3A_19 : i32 to index
    %swap3A_56 = arith.constant 32 : index
    %swap3A_57 = tpu.vector_load %arg14[%swap3A_55, %swap3A_56] {strides = array<i32>} : memref<125x64xi32, #tpu.memory_space<vmem>>, vector<16xi32>,
    tpu.vector_store %arg14[%swap3A_55, %swap3A_56], %bitcast3A_54 {strides = array<i32>} : memref<125x64xi32, #tpu.memory_space<vmem>>, vector<16xi32>,
    %add3A_58 = arith.constant 96 : i32
    %add3A_59 = vector.broadcast %add3A_58 : i32 to vector<16xi32>
    %add3A_60 = arith.addi %mul3A_13, %add3A_59 : vector<16xi32>
    %gather3A_61 = tpu.vector_load_idx %arg13[%add3A_22, %add3A_60] : memref<125x128xf32, #tpu.memory_space<vmem>>[vector<16xi32>, vector<16xi32>], vector<16xf32>,
    %add3A_62 = arith.constant 97 : i32
    %add3A_63 = vector.broadcast %add3A_62 : i32 to vector<16xi32>
    %add3A_64 = arith.addi %mul3A_13, %add3A_63 : vector<16xi32>
    %gather3A_65 = tpu.vector_load_idx %arg13[%add3A_22, %add3A_64] : memref<125x128xf32, #tpu.memory_space<vmem>>[vector<16xi32>, vector<16xi32>], vector<16xf32>,
    %pack3A_66 = tpu.pack_subelements %gather3A_61, %gather3A_65 {pack_format = #tpu.pack_format<interleaved>, positions = array<i32: 0, 1>} : vector<16xf32>, vector<16xf32> -> vector<32xbf16>
    %bitcast3A_67 = vector.bitcast %pack3A_66 : vector<32xbf16> to vector<16xi32>
    %swap3A_68 = arith.index_cast %scan3A_19 : i32 to index
    %swap3A_69 = arith.constant 48 : index
    %swap3A_70 = tpu.vector_load %arg14[%swap3A_68, %swap3A_69] {strides = array<i32>} : memref<125x64xi32, #tpu.memory_space<vmem>>, vector<16xi32>,
    tpu.vector_store %arg14[%swap3A_68, %swap3A_69], %bitcast3A_67 {strides = array<i32>} : memref<125x64xi32, #tpu.memory_space<vmem>>, vector<16xi32>,
    %scan3A_71 = arith.constant 125 : i32
    "tpu.region"() ({
      %run_scoped3A = tpu.sem_alloc : memref<!tpu.dma_semaphore, #tpu.memory_space<semaphore_mem>>
      %dma_start3A_114 = arith.constant 0 : i32
      %dma_start3A_115 = tpu.memref_slice %arg15[%mul3A_4, %dma_start3A_114] : memref<2000x64xi32, #tpu.memory_space<vmem_shared>> -> memref<125x64xi32, #tpu.memory_space<vmem_shared>>
      %dma_start3A_116 = arith.constant 0 : i32
      %dma_start3A_117 = tpu.memref_slice %arg15[%mul3A_4, %dma_start3A_116] : memref<2000x64xi32, #tpu.memory_space<vmem_shared>> -> memref<125x64xi32, #tpu.memory_space<vmem_shared>>
      tpu.enqueue_dma source(%arg14 : memref<125x64xi32, #tpu.memory_space<vmem>>) target(%dma_start3A_117 : memref<125x64xi32, #tpu.memory_space<vmem_shared>>) target_semaphore(%run_scoped3A : memref<!tpu.dma_semaphore, #tpu.memory_space<semaphore_mem>>)
      %dma_wait3A = arith.constant 0 : i32
      %dma_wait3A_118 = tpu.memref_slice %arg15[%mul3A_4, %dma_wait3A] : memref<2000x64xi32, #tpu.memory_space<vmem_shared>> -> memref<125x64xi32, #tpu.memory_space<vmem_shared>>
      %dma_wait3A_119 = arith.constant 0 : i32
      %dma_wait3A_120 = tpu.memref_slice %arg15[%mul3A_4, %dma_wait3A_119] : memref<2000x64xi32, #tpu.memory_space<vmem_shared>> -> memref<125x64xi32, #tpu.memory_space<vmem_shared>>
      tpu.wait_dma2 semaphore(%run_scoped3A : memref<!tpu.dma_semaphore, #tpu.memory_space<semaphore_mem>>) src(%arg14 : memref<125x64xi32, #tpu.memory_space<vmem>>) dst(%dma_wait3A_120 : memref<125x64xi32, #tpu.memory_space<vmem_shared>>)
      tpu.yield
    }) : () -> ()
    "tpu.region"() ({
      %run_scoped3A = tpu.sem_alloc : memref<!tpu.dma_semaphore, #tpu.memory_space<semaphore_mem>>
      %dma_start3A_114 = arith.constant 0 : i32
      %dma_start3A_115 = tpu.memref_slice %arg2[%dma_start3A_114, %mul3A_2] : memref<3x16384xi32, #tpu.memory_space<hbm>> -> memref<3x512xi32, #tpu.memory_space<hbm>>
      %dma_start3A_116 = arith.constant 0 : i32
      %dma_start3A_117 = tpu.memref_slice %arg2[%dma_start3A_116, %mul3A_2] : memref<3x16384xi32, #tpu.memory_space<hbm>> -> memref<3x512xi32, #tpu.memory_space<hbm>>
      tpu.enqueue_dma source(%dma_start3A_117 : memref<3x512xi32, #tpu.memory_space<hbm>>) target(%arg6 : memref<3x512xi32, #tpu.memory_space<vmem>>) target_semaphore(%run_scoped3A : memref<!tpu.dma_semaphore, #tpu.memory_space<semaphore_mem>>)
      %dma_wait3A = arith.constant 0 : i32
      %dma_wait3A_118 = tpu.memref_slice %arg2[%dma_wait3A, %mul3A_2] : memref<3x16384xi32, #tpu.memory_space<hbm>> -> memref<3x512xi32, #tpu.memory_space<hbm>>
      %dma_wait3A_119 = arith.constant 0 : i32
      %dma_wait3A_120 = tpu.memref_slice %arg2[%dma_wait3A_119, %mul3A_2] : memref<3x16384xi32, #tpu.memory_space<hbm>> -> memref<3x512xi32, #tpu.memory_space<hbm>>
      tpu.wait_dma2 semaphore(%run_scoped3A : memref<!tpu.dma_semaphore, #tpu.memory_space<semaphore_mem>>) src(%dma_wait3A_120 : memref<3x512xi32, #tpu.memory_space<hbm>>) dst(%arg6 : memref<3x512xi32, #tpu.memory_space<vmem>>)
      tpu.yield
    }) : () -> ()
    %iota3A_72 = tpu.iota {dimensions = array<i32: 0>} : vector<16xi32>
    %broadcast_in_dim3A_73 = arith.constant 0 : i32
    %broadcast_in_dim3A_74 = vector.broadcast %broadcast_in_dim3A_73 : i32 to vector<16xi32>
    %scan3A_75 = arith.constant 0 : i32
    %scan3A_76 = arith.constant 0 : i32
    %scan3A_77 = arith.constant 32 : i32
    %scan3A_78 = arith.addi %scan3A_76, %scan3A_77 : i32
    %scan3A_79 = arith.constant 1 : i32
    scf.for %scan3A_114 = %scan3A_76 to %scan3A_78 step %scan3A_79  : i32 {
      %mul3A_115 = arith.constant 16 : i32
      %mul3A_116 = arith.muli %scan3A_114, %mul3A_115 : i32
      %add3A_117 = vector.broadcast %mul3A_116 : i32 to vector<16xi32>
      %add3A_118 = arith.addi %iota3A_72, %add3A_117 : vector<16xi32>
      %div3A = arith.constant 4 : i32
      %div3A_119 = arith.divsi %scan3A_114, %div3A : i32
      %mul3A_120 = arith.constant 128 : i32
      %mul3A_121 = arith.muli %div3A_119, %mul3A_120 : i32
      %rem3A = arith.constant 4 : i32
      %rem3A_122 = arith.remsi %scan3A_114, %rem3A : i32
      %mul3A_123 = arith.constant 16 : i32
      %mul3A_124 = arith.muli %rem3A_122, %mul3A_123 : i32
      %add3A_125 = arith.addi %mul3A_121, %mul3A_124 : i32
      %gather3A_126 = tpu.vector_load_idx %arg6[%broadcast_in_dim3A_74, %add3A_118] : memref<3x512xi32, #tpu.memory_space<vmem>>[vector<16xi32>, vector<16xi32>], vector<16xi32>,
      %swap3A_127 = arith.index_cast %add3A_125 : i32 to index
      %swap3A_128 = tpu.vector_load %arg7[%swap3A_127] {strides = array<i32>} : memref<1024xi32, #tpu.memory_space<vmem>>, vector<16xi32>,
      tpu.vector_store %arg7[%swap3A_127], %gather3A_126 {strides = array<i32>} : memref<1024xi32, #tpu.memory_space<vmem>>, vector<16xi32>,
      %add3A_129 = arith.constant 2 : i32
      %add3A_130 = vector.broadcast %add3A_129 : i32 to vector<16xi32>
      %add3A_131 = arith.addi %broadcast_in_dim3A_74, %add3A_130 : vector<16xi32>
      %gather3A_132 = tpu.vector_load_idx %arg6[%add3A_131, %add3A_118] : memref<3x512xi32, #tpu.memory_space<vmem>>[vector<16xi32>, vector<16xi32>], vector<16xi32>,
      %add3A_133 = arith.constant 64 : i32
      %add3A_134 = arith.addi %add3A_125, %add3A_133 : i32
      %swap3A_135 = arith.index_cast %add3A_134 : i32 to index
      %swap3A_136 = tpu.vector_load %arg7[%swap3A_135] {strides = array<i32>} : memref<1024xi32, #tpu.memory_space<vmem>>, vector<16xi32>,
      tpu.vector_store %arg7[%swap3A_135], %gather3A_132 {strides = array<i32>} : memref<1024xi32, #tpu.memory_space<vmem>>, vector<16xi32>,
      %add3A_137 = arith.constant 1 : i32
      %add3A_138 = vector.broadcast %add3A_137 : i32 to vector<16xi32>
      %add3A_139 = arith.addi %broadcast_in_dim3A_74, %add3A_138 : vector<16xi32>
      %gather3A_140 = tpu.vector_load_idx %arg6[%add3A_139, %add3A_118] : memref<3x512xi32, #tpu.memory_space<vmem>>[vector<16xi32>, vector<16xi32>], vector<16xi32>,
      %add3A_141 = arith.constant 1000 : i32
      %add3A_142 = vector.broadcast %add3A_141 : i32 to vector<16xi32>
      %add3A_143 = arith.addi %gather3A_140, %add3A_142 : vector<16xi32>
      %mul3A_144 = arith.constant 16 : i32
      %mul3A_145 = arith.muli %scan3A_114, %mul3A_144 : i32
      %swap3A_146 = arith.index_cast %mul3A_145 : i32 to index
      %swap3A_147 = tpu.vector_load %arg8[%swap3A_146] {strides = array<i32>} : memref<512xi32, #tpu.memory_space<vmem>>, vector<16xi32>,
      tpu.vector_store %arg8[%swap3A_146], %add3A_143 {strides = array<i32>} : memref<512xi32, #tpu.memory_space<vmem>>, vector<16xi32>,
    }
    %scan3A_80 = arith.constant 32 : i32
    %barrier3A = arith.constant 0 : index
    tpu.barrier barrier_id(%barrier3A)
    %dma_start3A = arith.constant 0 : i32
    %dma_start3A_81 = arith.constant 0 : i32
    %dma_start3A_82 = arith.constant 0 : i32
    %dma_start3A_83 = arith.constant 0 : i32
    %dma_start3A_84 = arith.constant 0 : i32
    %dma_start3A_85 = tpu.memref_slice %arg9[%dma_start3A, %dma_start3A_83, %dma_start3A_84] : memref<2x128x64xi32, #tpu.memory_space<vmem>> -> memref<1x128x64xi32, #tpu.memory_space<vmem>>
    %dma_start3A_86 = tpu.memref_squeeze %dma_start3A_85 : memref<1x128x64xi32, #tpu.memory_space<vmem>> -> memref<128x64xi32, #tpu.memory_space<vmem>>
    %dma_start3A_87 = arith.constant 0 : i32
    %dma_start3A_88 = tpu.memref_slice %arg7[%dma_start3A_87] : memref<1024xi32, #tpu.memory_space<vmem>> -> memref<128xi32, #tpu.memory_space<vmem>>
    %dma_start3A_89 = arith.constant 0 : i32
    %dma_start3A_90 = arith.constant 0 : i32
    %dma_start3A_91 = tpu.memref_slice %arg15[%dma_start3A_89, %dma_start3A_90] : memref<2000x64xi32, #tpu.memory_space<vmem_shared>> -> memref<2000x64xi32, #tpu.memory_space<vmem_shared>>
    %dma_start3A_92 = tpu.memref_slice %arg16[%dma_start3A_81, %dma_start3A_82] : memref<2x3x!tpu.dma_semaphore, #tpu.memory_space<semaphore_mem>> -> memref<1x1x!tpu.dma_semaphore, #tpu.memory_space<semaphore_mem>>
    %dma_start3A_93 = tpu.memref_squeeze %dma_start3A_92 : memref<1x1x!tpu.dma_semaphore, #tpu.memory_space<semaphore_mem>> -> memref<!tpu.dma_semaphore, #tpu.memory_space<semaphore_mem>>
    tpu.enqueue_indirect_dma source(%dma_start3A_91 : memref<2000x64xi32, #tpu.memory_space<vmem_shared>>) target(%dma_start3A_86 : memref<128x64xi32, #tpu.memory_space<vmem>>) offsets(%dma_start3A_88 : memref<128xi32, #tpu.memory_space<vmem>>) semaphore(%dma_start3A_93 : memref<!tpu.dma_semaphore, #tpu.memory_space<semaphore_mem>>)
    %dma_start3A_94 = arith.constant 0 : i32
    %dma_start3A_95 = arith.constant 0 : i32
    %dma_start3A_96 = arith.constant 1 : i32
    %dma_start3A_97 = arith.constant 0 : i32
    %dma_start3A_98 = arith.constant 0 : i32
    %dma_start3A_99 = tpu.memref_slice %arg10[%dma_start3A_94, %dma_start3A_97, %dma_start3A_98] : memref<2x64x64xi32, #tpu.memory_space<vmem>> -> memref<1x64x64xi32, #tpu.memory_space<vmem>>
    %dma_start3A_100 = tpu.memref_squeeze %dma_start3A_99 : memref<1x64x64xi32, #tpu.memory_space<vmem>> -> memref<64x64xi32, #tpu.memory_space<vmem>>
    %dma_start3A_101 = arith.constant 0 : i32
    %dma_start3A_102 = tpu.memref_slice %arg8[%dma_start3A_101] : memref<512xi32, #tpu.memory_space<vmem>> -> memref<64xi32, #tpu.memory_space<vmem>>
    %dma_start3A_103 = arith.constant 0 : i32
    %dma_start3A_104 = arith.constant 0 : i32
    %dma_start3A_105 = tpu.memref_slice %arg15[%dma_start3A_103, %dma_start3A_104] : memref<2000x64xi32, #tpu.memory_space<vmem_shared>> -> memref<2000x64xi32, #tpu.memory_space<vmem_shared>>
    %dma_start3A_106 = tpu.memref_slice %arg16[%dma_start3A_95, %dma_start3A_96] : memref<2x3x!tpu.dma_semaphore, #tpu.memory_space<semaphore_mem>> -> memref<1x1x!tpu.dma_semaphore, #tpu.memory_space<semaphore_mem>>
    %dma_start3A_107 = tpu.memref_squeeze %dma_start3A_106 : memref<1x1x!tpu.dma_semaphore, #tpu.memory_space<semaphore_mem>> -> memref<!tpu.dma_semaphore, #tpu.memory_space<semaphore_mem>>
    tpu.enqueue_indirect_dma source(%dma_start3A_105 : memref<2000x64xi32, #tpu.memory_space<vmem_shared>>) target(%dma_start3A_100 : memref<64x64xi32, #tpu.memory_space<vmem>>) offsets(%dma_start3A_102 : memref<64xi32, #tpu.memory_space<vmem>>) semaphore(%dma_start3A_107 : memref<!tpu.dma_semaphore, #tpu.memory_space<semaphore_mem>>)
    %scan3A_108 = arith.constant 0 : i32
    %scan3A_109 = arith.constant 0 : i32
    %scan3A_110 = arith.constant 8 : i32
    %scan3A_111 = arith.addi %scan3A_109, %scan3A_110 : i32
    %scan3A_112 = arith.constant 1 : i32
    scf.for %scan3A_114 = %scan3A_109 to %scan3A_111 step %scan3A_112  : i32 {
      %rem3A = arith.constant 2 : i32
      %rem3A_115 = arith.remsi %scan3A_114, %rem3A : i32
      %add3A_116 = arith.constant 1 : i32
      %add3A_117 = arith.addi %scan3A_114, %add3A_116 : i32
      %lt3A_118 = arith.constant 8 : i32
      %lt3A_119 = arith.cmpi slt, %add3A_117, %lt3A_118 : i32
      %convert_element_type3A_120 = arith.extui %lt3A_119 : i1 to i32
      %cond3A_121 = arith.constant 0 : i32
      %cond3A_122 = arith.cmpi ne, %convert_element_type3A_120, %cond3A_121 : i32
      scf.if %cond3A_122 {
        %add3A_172 = arith.constant 1 : i32
        %add3A_173 = arith.addi %scan3A_114, %add3A_172 : i32
        %sub3A = arith.constant 1 : i32
        %sub3A_174 = arith.subi %sub3A, %rem3A_115 : i32
        %mul3A_175 = arith.constant 2 : i32
        %mul3A_176 = arith.muli %add3A_173, %mul3A_175 : i32
        %mul3A_177 = arith.constant 64 : i32
        %mul3A_178 = arith.muli %mul3A_176, %mul3A_177 : i32
        %dma_start3A_179 = arith.constant 0 : i32
        %dma_start3A_180 = arith.constant 0 : i32
        %dma_start3A_181 = arith.constant 0 : i32
        %dma_start3A_182 = tpu.memref_slice %arg9[%sub3A_174, %dma_start3A_180, %dma_start3A_181] : memref<2x128x64xi32, #tpu.memory_space<vmem>> -> memref<1x128x64xi32, #tpu.memory_space<vmem>>
        %dma_start3A_183 = tpu.memref_squeeze %dma_start3A_182 : memref<1x128x64xi32, #tpu.memory_space<vmem>> -> memref<128x64xi32, #tpu.memory_space<vmem>>
        %dma_start3A_184 = tpu.memref_slice %arg7[%mul3A_178] : memref<1024xi32, #tpu.memory_space<vmem>> -> memref<128xi32, #tpu.memory_space<vmem>>
        %dma_start3A_185 = arith.constant 0 : i32
        %dma_start3A_186 = arith.constant 0 : i32
        %dma_start3A_187 = tpu.memref_slice %arg15[%dma_start3A_185, %dma_start3A_186] : memref<2000x64xi32, #tpu.memory_space<vmem_shared>> -> memref<2000x64xi32, #tpu.memory_space<vmem_shared>>
        %dma_start3A_188 = tpu.memref_slice %arg16[%sub3A_174, %dma_start3A_179] : memref<2x3x!tpu.dma_semaphore, #tpu.memory_space<semaphore_mem>> -> memref<1x1x!tpu.dma_semaphore, #tpu.memory_space<semaphore_mem>>
        %dma_start3A_189 = tpu.memref_squeeze %dma_start3A_188 : memref<1x1x!tpu.dma_semaphore, #tpu.memory_space<semaphore_mem>> -> memref<!tpu.dma_semaphore, #tpu.memory_space<semaphore_mem>>
        tpu.enqueue_indirect_dma source(%dma_start3A_187 : memref<2000x64xi32, #tpu.memory_space<vmem_shared>>) target(%dma_start3A_183 : memref<128x64xi32, #tpu.memory_space<vmem>>) offsets(%dma_start3A_184 : memref<128xi32, #tpu.memory_space<vmem>>) semaphore(%dma_start3A_189 : memref<!tpu.dma_semaphore, #tpu.memory_space<semaphore_mem>>)
        %mul3A_190 = arith.constant 64 : i32
        %mul3A_191 = arith.muli %add3A_173, %mul3A_190 : i32
        %dma_start3A_192 = arith.constant 1 : i32
        %dma_start3A_193 = arith.constant 0 : i32
        %dma_start3A_194 = arith.constant 0 : i32
        %dma_start3A_195 = tpu.memref_slice %arg10[%sub3A_174, %dma_start3A_193, %dma_start3A_194] : memref<2x64x64xi32, #tpu.memory_space<vmem>> -> memref<1x64x64xi32, #tpu.memory_space<vmem>>
        %dma_start3A_196 = tpu.memref_squeeze %dma_start3A_195 : memref<1x64x64xi32, #tpu.memory_space<vmem>> -> memref<64x64xi32, #tpu.memory_space<vmem>>
        %dma_start3A_197 = tpu.memref_slice %arg8[%mul3A_191] : memref<512xi32, #tpu.memory_space<vmem>> -> memref<64xi32, #tpu.memory_space<vmem>>
        %dma_start3A_198 = arith.constant 0 : i32
        %dma_start3A_199 = arith.constant 0 : i32
        %dma_start3A_200 = tpu.memref_slice %arg15[%dma_start3A_198, %dma_start3A_199] : memref<2000x64xi32, #tpu.memory_space<vmem_shared>> -> memref<2000x64xi32, #tpu.memory_space<vmem_shared>>
        %dma_start3A_201 = tpu.memref_slice %arg16[%sub3A_174, %dma_start3A_192] : memref<2x3x!tpu.dma_semaphore, #tpu.memory_space<semaphore_mem>> -> memref<1x1x!tpu.dma_semaphore, #tpu.memory_space<semaphore_mem>>
        %dma_start3A_202 = tpu.memref_squeeze %dma_start3A_201 : memref<1x1x!tpu.dma_semaphore, #tpu.memory_space<semaphore_mem>> -> memref<!tpu.dma_semaphore, #tpu.memory_space<semaphore_mem>>
        tpu.enqueue_indirect_dma source(%dma_start3A_200 : memref<2000x64xi32, #tpu.memory_space<vmem_shared>>) target(%dma_start3A_196 : memref<64x64xi32, #tpu.memory_space<vmem>>) offsets(%dma_start3A_197 : memref<64xi32, #tpu.memory_space<vmem>>) semaphore(%dma_start3A_202 : memref<!tpu.dma_semaphore, #tpu.memory_space<semaphore_mem>>)
      } else {
      }
      %dma_wait3A = arith.constant 0 : i32
      %dma_wait3A_123 = arith.constant 0 : i32
      %dma_wait3A_124 = arith.constant 0 : i32
      %dma_wait3A_125 = tpu.memref_slice %arg9[%rem3A_115, %dma_wait3A_123, %dma_wait3A_124] : memref<2x128x64xi32, #tpu.memory_space<vmem>> -> memref<1x128x64xi32, #tpu.memory_space<vmem>>
      %dma_wait3A_126 = tpu.memref_squeeze %dma_wait3A_125 : memref<1x128x64xi32, #tpu.memory_space<vmem>> -> memref<128x64xi32, #tpu.memory_space<vmem>>
      %dma_wait3A_127 = arith.constant 0 : i32
      %dma_wait3A_128 = arith.constant 0 : i32
      %dma_wait3A_129 = tpu.memref_slice %arg15[%dma_wait3A_127, %dma_wait3A_128] : memref<2000x64xi32, #tpu.memory_space<vmem_shared>> -> memref<128x64xi32, #tpu.memory_space<vmem_shared>>
      %dma_wait3A_130 = tpu.memref_slice %arg16[%rem3A_115, %dma_wait3A] : memref<2x3x!tpu.dma_semaphore, #tpu.memory_space<semaphore_mem>> -> memref<1x1x!tpu.dma_semaphore, #tpu.memory_space<semaphore_mem>>
      %dma_wait3A_131 = tpu.memref_squeeze %dma_wait3A_130 : memref<1x1x!tpu.dma_semaphore, #tpu.memory_space<semaphore_mem>> -> memref<!tpu.dma_semaphore, #tpu.memory_space<semaphore_mem>>
      %dma_wait3A_132 = arith.constant 0 : i32
      %dma_wait3A_133 = arith.constant 0 : i32
      %dma_wait3A_134 = tpu.memref_slice %arg9[%rem3A_115, %dma_wait3A_132, %dma_wait3A_133] : memref<2x128x64xi32, #tpu.memory_space<vmem>> -> memref<1x128x64xi32, #tpu.memory_space<vmem>>
      %dma_wait3A_135 = tpu.memref_squeeze %dma_wait3A_134 : memref<1x128x64xi32, #tpu.memory_space<vmem>> -> memref<128x64xi32, #tpu.memory_space<vmem>>
      %dma_wait3A_136 = arith.constant 0 : i32
      %dma_wait3A_137 = arith.constant 0 : i32
      %dma_wait3A_138 = tpu.memref_slice %arg15[%dma_wait3A_136, %dma_wait3A_137] : memref<2000x64xi32, #tpu.memory_space<vmem_shared>> -> memref<128x64xi32, #tpu.memory_space<vmem_shared>>
      tpu.wait_dma2 semaphore(%dma_wait3A_131 : memref<!tpu.dma_semaphore, #tpu.memory_space<semaphore_mem>>) src(%dma_wait3A_138 : memref<128x64xi32, #tpu.memory_space<vmem_shared>>) dst(%dma_wait3A_135 : memref<128x64xi32, #tpu.memory_space<vmem>>)
      %dma_wait3A_139 = arith.constant 1 : i32
      %dma_wait3A_140 = arith.constant 0 : i32
      %dma_wait3A_141 = arith.constant 0 : i32
      %dma_wait3A_142 = tpu.memref_slice %arg10[%rem3A_115, %dma_wait3A_140, %dma_wait3A_141] : memref<2x64x64xi32, #tpu.memory_space<vmem>> -> memref<1x64x64xi32, #tpu.memory_space<vmem>>
      %dma_wait3A_143 = tpu.memref_squeeze %dma_wait3A_142 : memref<1x64x64xi32, #tpu.memory_space<vmem>> -> memref<64x64xi32, #tpu.memory_space<vmem>>
      %dma_wait3A_144 = arith.constant 0 : i32
      %dma_wait3A_145 = arith.constant 0 : i32
      %dma_wait3A_146 = tpu.memref_slice %arg15[%dma_wait3A_144, %dma_wait3A_145] : memref<2000x64xi32, #tpu.memory_space<vmem_shared>> -> memref<64x64xi32, #tpu.memory_space<vmem_shared>>
      %dma_wait3A_147 = tpu.memref_slice %arg16[%rem3A_115, %dma_wait3A_139] : memref<2x3x!tpu.dma_semaphore, #tpu.memory_space<semaphore_mem>> -> memref<1x1x!tpu.dma_semaphore, #tpu.memory_space<semaphore_mem>>
      %dma_wait3A_148 = tpu.memref_squeeze %dma_wait3A_147 : memref<1x1x!tpu.dma_semaphore, #tpu.memory_space<semaphore_mem>> -> memref<!tpu.dma_semaphore, #tpu.memory_space<semaphore_mem>>
      %dma_wait3A_149 = arith.constant 0 : i32
      %dma_wait3A_150 = arith.constant 0 : i32
      %dma_wait3A_151 = tpu.memref_slice %arg10[%rem3A_115, %dma_wait3A_149, %dma_wait3A_150] : memref<2x64x64xi32, #tpu.memory_space<vmem>> -> memref<1x64x64xi32, #tpu.memory_space<vmem>>
      %dma_wait3A_152 = tpu.memref_squeeze %dma_wait3A_151 : memref<1x64x64xi32, #tpu.memory_space<vmem>> -> memref<64x64xi32, #tpu.memory_space<vmem>>
      %dma_wait3A_153 = arith.constant 0 : i32
      %dma_wait3A_154 = arith.constant 0 : i32
      %dma_wait3A_155 = tpu.memref_slice %arg15[%dma_wait3A_153, %dma_wait3A_154] : memref<2000x64xi32, #tpu.memory_space<vmem_shared>> -> memref<64x64xi32, #tpu.memory_space<vmem_shared>>
      tpu.wait_dma2 semaphore(%dma_wait3A_148 : memref<!tpu.dma_semaphore, #tpu.memory_space<semaphore_mem>>) src(%dma_wait3A_155 : memref<64x64xi32, #tpu.memory_space<vmem_shared>>) dst(%dma_wait3A_152 : memref<64x64xi32, #tpu.memory_space<vmem>>)
      %scan3A_156 = arith.constant 0 : i32
      %scan3A_157 = arith.constant 0 : i32
      %scan3A_158 = arith.constant 64 : i32
      %scan3A_159 = arith.addi %scan3A_157, %scan3A_158 : i32
      %scan3A_160 = arith.constant 2 : i32
      scf.for %scan3A_172 = %scan3A_157 to %scan3A_159 step %scan3A_160  : i32 {
        %get3A = arith.index_cast %rem3A_115 : i32 to index
        %get3A_173 = arith.index_cast %scan3A_172 : i32 to index
        %get3A_174 = arith.constant 0 : index
        %get3A_175 = tpu.vector_load %arg9[%get3A, %get3A_173, %get3A_174] {strides = array<i32>} : memref<2x128x64xi32, #tpu.memory_space<vmem>>, vector<16xi32>,
        %bitcast3A_176 = vector.bitcast %get3A_175 : vector<16xi32> to vector<32xbf16>
        %get3A_177 = arith.index_cast %rem3A_115 : i32 to index
        %get3A_178 = arith.index_cast %scan3A_172 : i32 to index
        %get3A_179 = arith.constant 0 : index
        %get3A_180 = tpu.vector_load %arg10[%get3A_177, %get3A_178, %get3A_179] {strides = array<i32>} : memref<2x64x64xi32, #tpu.memory_space<vmem>>, vector<16xi32>,
        %bitcast3A_181 = vector.bitcast %get3A_180 : vector<16xi32> to vector<32xbf16>
        %add3A_182 = arith.constant 64 : i32
        %add3A_183 = arith.addi %add3A_182, %scan3A_172 : i32
        %get3A_184 = arith.index_cast %rem3A_115 : i32 to index
        %get3A_185 = arith.index_cast %add3A_183 : i32 to index
        %get3A_186 = arith.constant 0 : index
        %get3A_187 = tpu.vector_load %arg9[%get3A_184, %get3A_185, %get3A_186] {strides = array<i32>} : memref<2x128x64xi32, #tpu.memory_space<vmem>>, vector<16xi32>,
        %bitcast3A_188 = vector.bitcast %get3A_187 : vector<16xi32> to vector<32xbf16>
        %add3A_189 = arith.addf %bitcast3A_176, %bitcast3A_181 : vector<32xbf16>
        %sub3A = arith.subf %add3A_189, %bitcast3A_188 : vector<32xbf16>
        %abs3A = math.absf %sub3A : vector<32xbf16>
        %unpack3A = tpu.unpack_subelements %abs3A, 0 {pack_format = #tpu.pack_format<interleaved>} : vector<32xbf16> -> vector<16xf32>
        %unpack3A_190 = tpu.unpack_subelements %abs3A, 1 {pack_format = #tpu.pack_format<interleaved>} : vector<32xbf16> -> vector<16xf32>
        %get3A_191 = arith.index_cast %rem3A_115 : i32 to index
        %get3A_192 = arith.index_cast %scan3A_172 : i32 to index
        %get3A_193 = arith.constant 16 : index
        %get3A_194 = tpu.vector_load %arg9[%get3A_191, %get3A_192, %get3A_193] {strides = array<i32>} : memref<2x128x64xi32, #tpu.memory_space<vmem>>, vector<16xi32>,
        %bitcast3A_195 = vector.bitcast %get3A_194 : vector<16xi32> to vector<32xbf16>
        %get3A_196 = arith.index_cast %rem3A_115 : i32 to index
        %get3A_197 = arith.index_cast %scan3A_172 : i32 to index
        %get3A_198 = arith.constant 16 : index
        %get3A_199 = tpu.vector_load %arg10[%get3A_196, %get3A_197, %get3A_198] {strides = array<i32>} : memref<2x64x64xi32, #tpu.memory_space<vmem>>, vector<16xi32>,
        %bitcast3A_200 = vector.bitcast %get3A_199 : vector<16xi32> to vector<32xbf16>
        %add3A_201 = arith.constant 64 : i32
        %add3A_202 = arith.addi %add3A_201, %scan3A_172 : i32
        %get3A_203 = arith.index_cast %rem3A_115 : i32 to index
        %get3A_204 = arith.index_cast %add3A_202 : i32 to index
        %get3A_205 = arith.constant 16 : index
        %get3A_206 = tpu.vector_load %arg9[%get3A_203, %get3A_204, %get3A_205] {strides = array<i32>} : memref<2x128x64xi32, #tpu.memory_space<vmem>>, vector<16xi32>,
        %bitcast3A_207 = vector.bitcast %get3A_206 : vector<16xi32> to vector<32xbf16>
        %add3A_208 = arith.addf %bitcast3A_195, %bitcast3A_200 : vector<32xbf16>
        %sub3A_209 = arith.subf %add3A_208, %bitcast3A_207 : vector<32xbf16>
        %abs3A_210 = math.absf %sub3A_209 : vector<32xbf16>
        %unpack3A_211 = tpu.unpack_subelements %abs3A_210, 0 {pack_format = #tpu.pack_format<interleaved>} : vector<32xbf16> -> vector<16xf32>
        %unpack3A_212 = tpu.unpack_subelements %abs3A_210, 1 {pack_format = #tpu.pack_format<interleaved>} : vector<32xbf16> -> vector<16xf32>
        %get3A_213 = arith.index_cast %rem3A_115 : i32 to index
        %get3A_214 = arith.index_cast %scan3A_172 : i32 to index
        %get3A_215 = arith.constant 32 : index
        %get3A_216 = tpu.vector_load %arg9[%get3A_213, %get3A_214, %get3A_215] {strides = array<i32>} : memref<2x128x64xi32, #tpu.memory_space<vmem>>, vector<16xi32>,
        %bitcast3A_217 = vector.bitcast %get3A_216 : vector<16xi32> to vector<32xbf16>
        %get3A_218 = arith.index_cast %rem3A_115 : i32 to index
        %get3A_219 = arith.index_cast %scan3A_172 : i32 to index
        %get3A_220 = arith.constant 32 : index
        %get3A_221 = tpu.vector_load %arg10[%get3A_218, %get3A_219, %get3A_220] {strides = array<i32>} : memref<2x64x64xi32, #tpu.memory_space<vmem>>, vector<16xi32>,
        %bitcast3A_222 = vector.bitcast %get3A_221 : vector<16xi32> to vector<32xbf16>
        %add3A_223 = arith.constant 64 : i32
        %add3A_224 = arith.addi %add3A_223, %scan3A_172 : i32
        %get3A_225 = arith.index_cast %rem3A_115 : i32 to index
        %get3A_226 = arith.index_cast %add3A_224 : i32 to index
        %get3A_227 = arith.constant 32 : index
        %get3A_228 = tpu.vector_load %arg9[%get3A_225, %get3A_226, %get3A_227] {strides = array<i32>} : memref<2x128x64xi32, #tpu.memory_space<vmem>>, vector<16xi32>,
        %bitcast3A_229 = vector.bitcast %get3A_228 : vector<16xi32> to vector<32xbf16>
        %add3A_230 = arith.addf %bitcast3A_217, %bitcast3A_222 : vector<32xbf16>
        %sub3A_231 = arith.subf %add3A_230, %bitcast3A_229 : vector<32xbf16>
        %abs3A_232 = math.absf %sub3A_231 : vector<32xbf16>
        %unpack3A_233 = tpu.unpack_subelements %abs3A_232, 0 {pack_format = #tpu.pack_format<interleaved>} : vector<32xbf16> -> vector<16xf32>
        %unpack3A_234 = tpu.unpack_subelements %abs3A_232, 1 {pack_format = #tpu.pack_format<interleaved>} : vector<32xbf16> -> vector<16xf32>
        %get3A_235 = arith.index_cast %rem3A_115 : i32 to index
        %get3A_236 = arith.index_cast %scan3A_172 : i32 to index
        %get3A_237 = arith.constant 48 : index
        %get3A_238 = tpu.vector_load %arg9[%get3A_235, %get3A_236, %get3A_237] {strides = array<i32>} : memref<2x128x64xi32, #tpu.memory_space<vmem>>, vector<16xi32>,
        %bitcast3A_239 = vector.bitcast %get3A_238 : vector<16xi32> to vector<32xbf16>
        %get3A_240 = arith.index_cast %rem3A_115 : i32 to index
        %get3A_241 = arith.index_cast %scan3A_172 : i32 to index
        %get3A_242 = arith.constant 48 : index
        %get3A_243 = tpu.vector_load %arg10[%get3A_240, %get3A_241, %get3A_242] {strides = array<i32>} : memref<2x64x64xi32, #tpu.memory_space<vmem>>, vector<16xi32>,
        %bitcast3A_244 = vector.bitcast %get3A_243 : vector<16xi32> to vector<32xbf16>
        %add3A_245 = arith.constant 64 : i32
        %add3A_246 = arith.addi %add3A_245, %scan3A_172 : i32
        %get3A_247 = arith.index_cast %rem3A_115 : i32 to index
        %get3A_248 = arith.index_cast %add3A_246 : i32 to index
        %get3A_249 = arith.constant 48 : index
        %get3A_250 = tpu.vector_load %arg9[%get3A_247, %get3A_248, %get3A_249] {strides = array<i32>} : memref<2x128x64xi32, #tpu.memory_space<vmem>>, vector<16xi32>,
        %bitcast3A_251 = vector.bitcast %get3A_250 : vector<16xi32> to vector<32xbf16>
        %add3A_252 = arith.addf %bitcast3A_239, %bitcast3A_244 : vector<32xbf16>
        %sub3A_253 = arith.subf %add3A_252, %bitcast3A_251 : vector<32xbf16>
        %abs3A_254 = math.absf %sub3A_253 : vector<32xbf16>
        %unpack3A_255 = tpu.unpack_subelements %abs3A_254, 0 {pack_format = #tpu.pack_format<interleaved>} : vector<32xbf16> -> vector<16xf32>
        %unpack3A_256 = tpu.unpack_subelements %abs3A_254, 1 {pack_format = #tpu.pack_format<interleaved>} : vector<32xbf16> -> vector<16xf32>
        %add3A_257 = arith.addf %unpack3A, %unpack3A_190 : vector<16xf32>
        %add3A_258 = arith.addf %unpack3A_211, %unpack3A_212 : vector<16xf32>
        %add3A_259 = arith.addf %unpack3A_233, %unpack3A_234 : vector<16xf32>
        %add3A_260 = arith.addf %unpack3A_255, %unpack3A_256 : vector<16xf32>
        %add3A_261 = arith.addf %add3A_257, %add3A_258 : vector<16xf32>
        %add3A_262 = arith.addf %add3A_259, %add3A_260 : vector<16xf32>
        %add3A_263 = arith.addf %add3A_261, %add3A_262 : vector<16xf32>
        %mul3A_264 = arith.constant 17 : i32
        %mul3A_265 = arith.muli %scan3A_172, %mul3A_264 : i32
        %swap3A_266 = arith.index_cast %mul3A_265 : i32 to index
        %swap3A_267 = tpu.vector_load %arg11[%swap3A_266] {strides = array<i32>} : memref<1088xf32, #tpu.memory_space<vmem>>, vector<16xf32>,
        tpu.vector_store %arg11[%swap3A_266], %add3A_263 {strides = array<i32>} : memref<1088xf32, #tpu.memory_space<vmem>>, vector<16xf32>,
        %scan3A_268 = arith.constant 1 : i32
        %scan3A_269 = arith.addi %scan3A_172, %scan3A_268 : i32
        %get3A_270 = arith.index_cast %rem3A_115 : i32 to index
        %get3A_271 = arith.index_cast %scan3A_269 : i32 to index
        %get3A_272 = arith.constant 0 : index
        %get3A_273 = tpu.vector_load %arg9[%get3A_270, %get3A_271, %get3A_272] {strides = array<i32>} : memref<2x128x64xi32, #tpu.memory_space<vmem>>, vector<16xi32>,
        %bitcast3A_274 = vector.bitcast %get3A_273 : vector<16xi32> to vector<32xbf16>
        %get3A_275 = arith.index_cast %rem3A_115 : i32 to index
        %get3A_276 = arith.index_cast %scan3A_269 : i32 to index
        %get3A_277 = arith.constant 0 : index
        %get3A_278 = tpu.vector_load %arg10[%get3A_275, %get3A_276, %get3A_277] {strides = array<i32>} : memref<2x64x64xi32, #tpu.memory_space<vmem>>, vector<16xi32>,
        %bitcast3A_279 = vector.bitcast %get3A_278 : vector<16xi32> to vector<32xbf16>
        %add3A_280 = arith.constant 64 : i32
        %add3A_281 = arith.addi %add3A_280, %scan3A_269 : i32
        %get3A_282 = arith.index_cast %rem3A_115 : i32 to index
        %get3A_283 = arith.index_cast %add3A_281 : i32 to index
        %get3A_284 = arith.constant 0 : index
        %get3A_285 = tpu.vector_load %arg9[%get3A_282, %get3A_283, %get3A_284] {strides = array<i32>} : memref<2x128x64xi32, #tpu.memory_space<vmem>>, vector<16xi32>,
        %bitcast3A_286 = vector.bitcast %get3A_285 : vector<16xi32> to vector<32xbf16>
        %add3A_287 = arith.addf %bitcast3A_274, %bitcast3A_279 : vector<32xbf16>
        %sub3A_288 = arith.subf %add3A_287, %bitcast3A_286 : vector<32xbf16>
        %abs3A_289 = math.absf %sub3A_288 : vector<32xbf16>
        %unpack3A_290 = tpu.unpack_subelements %abs3A_289, 0 {pack_format = #tpu.pack_format<interleaved>} : vector<32xbf16> -> vector<16xf32>
        %unpack3A_291 = tpu.unpack_subelements %abs3A_289, 1 {pack_format = #tpu.pack_format<interleaved>} : vector<32xbf16> -> vector<16xf32>
        %get3A_292 = arith.index_cast %rem3A_115 : i32 to index
        %get3A_293 = arith.index_cast %scan3A_269 : i32 to index
        %get3A_294 = arith.constant 16 : index
        %get3A_295 = tpu.vector_load %arg9[%get3A_292, %get3A_293, %get3A_294] {strides = array<i32>} : memref<2x128x64xi32, #tpu.memory_space<vmem>>, vector<16xi32>,
        %bitcast3A_296 = vector.bitcast %get3A_295 : vector<16xi32> to vector<32xbf16>
        %get3A_297 = arith.index_cast %rem3A_115 : i32 to index
        %get3A_298 = arith.index_cast %scan3A_269 : i32 to index
        %get3A_299 = arith.constant 16 : index
        %get3A_300 = tpu.vector_load %arg10[%get3A_297, %get3A_298, %get3A_299] {strides = array<i32>} : memref<2x64x64xi32, #tpu.memory_space<vmem>>, vector<16xi32>,
        %bitcast3A_301 = vector.bitcast %get3A_300 : vector<16xi32> to vector<32xbf16>
        %add3A_302 = arith.constant 64 : i32
        %add3A_303 = arith.addi %add3A_302, %scan3A_269 : i32
        %get3A_304 = arith.index_cast %rem3A_115 : i32 to index
        %get3A_305 = arith.index_cast %add3A_303 : i32 to index
        %get3A_306 = arith.constant 16 : index
        %get3A_307 = tpu.vector_load %arg9[%get3A_304, %get3A_305, %get3A_306] {strides = array<i32>} : memref<2x128x64xi32, #tpu.memory_space<vmem>>, vector<16xi32>,
        %bitcast3A_308 = vector.bitcast %get3A_307 : vector<16xi32> to vector<32xbf16>
        %add3A_309 = arith.addf %bitcast3A_296, %bitcast3A_301 : vector<32xbf16>
        %sub3A_310 = arith.subf %add3A_309, %bitcast3A_308 : vector<32xbf16>
        %abs3A_311 = math.absf %sub3A_310 : vector<32xbf16>
        %unpack3A_312 = tpu.unpack_subelements %abs3A_311, 0 {pack_format = #tpu.pack_format<interleaved>} : vector<32xbf16> -> vector<16xf32>
        %unpack3A_313 = tpu.unpack_subelements %abs3A_311, 1 {pack_format = #tpu.pack_format<interleaved>} : vector<32xbf16> -> vector<16xf32>
        %get3A_314 = arith.index_cast %rem3A_115 : i32 to index
        %get3A_315 = arith.index_cast %scan3A_269 : i32 to index
        %get3A_316 = arith.constant 32 : index
        %get3A_317 = tpu.vector_load %arg9[%get3A_314, %get3A_315, %get3A_316] {strides = array<i32>} : memref<2x128x64xi32, #tpu.memory_space<vmem>>, vector<16xi32>,
        %bitcast3A_318 = vector.bitcast %get3A_317 : vector<16xi32> to vector<32xbf16>
        %get3A_319 = arith.index_cast %rem3A_115 : i32 to index
        %get3A_320 = arith.index_cast %scan3A_269 : i32 to index
        %get3A_321 = arith.constant 32 : index
        %get3A_322 = tpu.vector_load %arg10[%get3A_319, %get3A_320, %get3A_321] {strides = array<i32>} : memref<2x64x64xi32, #tpu.memory_space<vmem>>, vector<16xi32>,
        %bitcast3A_323 = vector.bitcast %get3A_322 : vector<16xi32> to vector<32xbf16>
        %add3A_324 = arith.constant 64 : i32
        %add3A_325 = arith.addi %add3A_324, %scan3A_269 : i32
        %get3A_326 = arith.index_cast %rem3A_115 : i32 to index
        %get3A_327 = arith.index_cast %add3A_325 : i32 to index
        %get3A_328 = arith.constant 32 : index
        %get3A_329 = tpu.vector_load %arg9[%get3A_326, %get3A_327, %get3A_328] {strides = array<i32>} : memref<2x128x64xi32, #tpu.memory_space<vmem>>, vector<16xi32>,
        %bitcast3A_330 = vector.bitcast %get3A_329 : vector<16xi32> to vector<32xbf16>
        %add3A_331 = arith.addf %bitcast3A_318, %bitcast3A_323 : vector<32xbf16>
        %sub3A_332 = arith.subf %add3A_331, %bitcast3A_330 : vector<32xbf16>
        %abs3A_333 = math.absf %sub3A_332 : vector<32xbf16>
        %unpack3A_334 = tpu.unpack_subelements %abs3A_333, 0 {pack_format = #tpu.pack_format<interleaved>} : vector<32xbf16> -> vector<16xf32>
        %unpack3A_335 = tpu.unpack_subelements %abs3A_333, 1 {pack_format = #tpu.pack_format<interleaved>} : vector<32xbf16> -> vector<16xf32>
        %get3A_336 = arith.index_cast %rem3A_115 : i32 to index
        %get3A_337 = arith.index_cast %scan3A_269 : i32 to index
        %get3A_338 = arith.constant 48 : index
        %get3A_339 = tpu.vector_load %arg9[%get3A_336, %get3A_337, %get3A_338] {strides = array<i32>} : memref<2x128x64xi32, #tpu.memory_space<vmem>>, vector<16xi32>,
        %bitcast3A_340 = vector.bitcast %get3A_339 : vector<16xi32> to vector<32xbf16>
        %get3A_341 = arith.index_cast %rem3A_115 : i32 to index
        %get3A_342 = arith.index_cast %scan3A_269 : i32 to index
        %get3A_343 = arith.constant 48 : index
        %get3A_344 = tpu.vector_load %arg10[%get3A_341, %get3A_342, %get3A_343] {strides = array<i32>} : memref<2x64x64xi32, #tpu.memory_space<vmem>>, vector<16xi32>,
        %bitcast3A_345 = vector.bitcast %get3A_344 : vector<16xi32> to vector<32xbf16>
        %add3A_346 = arith.constant 64 : i32
        %add3A_347 = arith.addi %add3A_346, %scan3A_269 : i32
        %get3A_348 = arith.index_cast %rem3A_115 : i32 to index
        %get3A_349 = arith.index_cast %add3A_347 : i32 to index
        %get3A_350 = arith.constant 48 : index
        %get3A_351 = tpu.vector_load %arg9[%get3A_348, %get3A_349, %get3A_350] {strides = array<i32>} : memref<2x128x64xi32, #tpu.memory_space<vmem>>, vector<16xi32>,
        %bitcast3A_352 = vector.bitcast %get3A_351 : vector<16xi32> to vector<32xbf16>
        %add3A_353 = arith.addf %bitcast3A_340, %bitcast3A_345 : vector<32xbf16>
        %sub3A_354 = arith.subf %add3A_353, %bitcast3A_352 : vector<32xbf16>
        %abs3A_355 = math.absf %sub3A_354 : vector<32xbf16>
        %unpack3A_356 = tpu.unpack_subelements %abs3A_355, 0 {pack_format = #tpu.pack_format<interleaved>} : vector<32xbf16> -> vector<16xf32>
        %unpack3A_357 = tpu.unpack_subelements %abs3A_355, 1 {pack_format = #tpu.pack_format<interleaved>} : vector<32xbf16> -> vector<16xf32>
        %add3A_358 = arith.addf %unpack3A_290, %unpack3A_291 : vector<16xf32>
        %add3A_359 = arith.addf %unpack3A_312, %unpack3A_313 : vector<16xf32>
        %add3A_360 = arith.addf %unpack3A_334, %unpack3A_335 : vector<16xf32>
        %add3A_361 = arith.addf %unpack3A_356, %unpack3A_357 : vector<16xf32>
        %add3A_362 = arith.addf %add3A_358, %add3A_359 : vector<16xf32>
        %add3A_363 = arith.addf %add3A_360, %add3A_361 : vector<16xf32>
        %add3A_364 = arith.addf %add3A_362, %add3A_363 : vector<16xf32>
        %mul3A_365 = arith.constant 17 : i32
        %mul3A_366 = arith.muli %scan3A_269, %mul3A_365 : i32
        %swap3A_367 = arith.index_cast %mul3A_366 : i32 to index
        %swap3A_368 = tpu.vector_load %arg11[%swap3A_367] {strides = array<i32>} : memref<1088xf32, #tpu.memory_space<vmem>>, vector<16xf32>,
        tpu.vector_store %arg11[%swap3A_367], %add3A_364 {strides = array<i32>} : memref<1088xf32, #tpu.memory_space<vmem>>, vector<16xf32>,
      }
      %scan3A_161 = arith.constant 64 : i32
      %iota3A_162 = tpu.iota {dimensions = array<i32: 0>} : vector<16xi32>
      %mul3A_163 = arith.constant 17 : i32
      %mul3A_164 = vector.broadcast %mul3A_163 : i32 to vector<16xi32>
      %mul3A_165 = arith.muli %iota3A_162, %mul3A_164 : vector<16xi32>
      %scan3A_166 = arith.constant 0 : i32
      %scan3A_167 = arith.constant 0 : i32
      %scan3A_168 = arith.constant 4 : i32
      %scan3A_169 = arith.addi %scan3A_167, %scan3A_168 : i32
      %scan3A_170 = arith.constant 1 : i32
      scf.for %scan3A_172 = %scan3A_167 to %scan3A_169 step %scan3A_170  : i32 {
        %mul3A_173 = arith.constant 16 : i32
        %mul3A_174 = arith.muli %scan3A_172, %mul3A_173 : i32
        %mul3A_175 = arith.constant 17 : i32
        %mul3A_176 = arith.muli %mul3A_174, %mul3A_175 : i32
        %add3A_177 = arith.constant 0 : i32
        %add3A_178 = arith.addi %mul3A_176, %add3A_177 : i32
        %add3A_179 = vector.broadcast %add3A_178 : i32 to vector<16xi32>
        %add3A_180 = arith.addi %mul3A_165, %add3A_179 : vector<16xi32>
        %gather3A_181 = tpu.vector_load_idx %arg11[%add3A_180] : memref<1088xf32, #tpu.memory_space<vmem>>[vector<16xi32>], vector<16xf32>,
        %mul3A_182 = arith.constant 16 : i32
        %mul3A_183 = arith.muli %scan3A_172, %mul3A_182 : i32
        %mul3A_184 = arith.constant 17 : i32
        %mul3A_185 = arith.muli %mul3A_183, %mul3A_184 : i32
        %add3A_186 = arith.constant 1 : i32
        %add3A_187 = arith.addi %mul3A_185, %add3A_186 : i32
        %add3A_188 = vector.broadcast %add3A_187 : i32 to vector<16xi32>
        %add3A_189 = arith.addi %mul3A_165, %add3A_188 : vector<16xi32>
        %gather3A_190 = tpu.vector_load_idx %arg11[%add3A_189] : memref<1088xf32, #tpu.memory_space<vmem>>[vector<16xi32>], vector<16xf32>,
        %mul3A_191 = arith.constant 16 : i32
        %mul3A_192 = arith.muli %scan3A_172, %mul3A_191 : i32
        %mul3A_193 = arith.constant 17 : i32
        %mul3A_194 = arith.muli %mul3A_192, %mul3A_193 : i32
        %add3A_195 = arith.constant 2 : i32
        %add3A_196 = arith.addi %mul3A_194, %add3A_195 : i32
        %add3A_197 = vector.broadcast %add3A_196 : i32 to vector<16xi32>
        %add3A_198 = arith.addi %mul3A_165, %add3A_197 : vector<16xi32>
        %gather3A_199 = tpu.vector_load_idx %arg11[%add3A_198] : memref<1088xf32, #tpu.memory_space<vmem>>[vector<16xi32>], vector<16xf32>,
        %mul3A_200 = arith.constant 16 : i32
        %mul3A_201 = arith.muli %scan3A_172, %mul3A_200 : i32
        %mul3A_202 = arith.constant 17 : i32
        %mul3A_203 = arith.muli %mul3A_201, %mul3A_202 : i32
        %add3A_204 = arith.constant 3 : i32
        %add3A_205 = arith.addi %mul3A_203, %add3A_204 : i32
        %add3A_206 = vector.broadcast %add3A_205 : i32 to vector<16xi32>
        %add3A_207 = arith.addi %mul3A_165, %add3A_206 : vector<16xi32>
        %gather3A_208 = tpu.vector_load_idx %arg11[%add3A_207] : memref<1088xf32, #tpu.memory_space<vmem>>[vector<16xi32>], vector<16xf32>,
        %mul3A_209 = arith.constant 16 : i32
        %mul3A_210 = arith.muli %scan3A_172, %mul3A_209 : i32
        %mul3A_211 = arith.constant 17 : i32
        %mul3A_212 = arith.muli %mul3A_210, %mul3A_211 : i32
        %add3A_213 = arith.constant 4 : i32
        %add3A_214 = arith.addi %mul3A_212, %add3A_213 : i32
        %add3A_215 = vector.broadcast %add3A_214 : i32 to vector<16xi32>
        %add3A_216 = arith.addi %mul3A_165, %add3A_215 : vector<16xi32>
        %gather3A_217 = tpu.vector_load_idx %arg11[%add3A_216] : memref<1088xf32, #tpu.memory_space<vmem>>[vector<16xi32>], vector<16xf32>,
        %mul3A_218 = arith.constant 16 : i32
        %mul3A_219 = arith.muli %scan3A_172, %mul3A_218 : i32
        %mul3A_220 = arith.constant 17 : i32
        %mul3A_221 = arith.muli %mul3A_219, %mul3A_220 : i32
        %add3A_222 = arith.constant 5 : i32
        %add3A_223 = arith.addi %mul3A_221, %add3A_222 : i32
        %add3A_224 = vector.broadcast %add3A_223 : i32 to vector<16xi32>
        %add3A_225 = arith.addi %mul3A_165, %add3A_224 : vector<16xi32>
        %gather3A_226 = tpu.vector_load_idx %arg11[%add3A_225] : memref<1088xf32, #tpu.memory_space<vmem>>[vector<16xi32>], vector<16xf32>,
        %mul3A_227 = arith.constant 16 : i32
        %mul3A_228 = arith.muli %scan3A_172, %mul3A_227 : i32
        %mul3A_229 = arith.constant 17 : i32
        %mul3A_230 = arith.muli %mul3A_228, %mul3A_229 : i32
        %add3A_231 = arith.constant 6 : i32
        %add3A_232 = arith.addi %mul3A_230, %add3A_231 : i32
        %add3A_233 = vector.broadcast %add3A_232 : i32 to vector<16xi32>
        %add3A_234 = arith.addi %mul3A_165, %add3A_233 : vector<16xi32>
        %gather3A_235 = tpu.vector_load_idx %arg11[%add3A_234] : memref<1088xf32, #tpu.memory_space<vmem>>[vector<16xi32>], vector<16xf32>,
        %mul3A_236 = arith.constant 16 : i32
        %mul3A_237 = arith.muli %scan3A_172, %mul3A_236 : i32
        %mul3A_238 = arith.constant 17 : i32
        %mul3A_239 = arith.muli %mul3A_237, %mul3A_238 : i32
        %add3A_240 = arith.constant 7 : i32
        %add3A_241 = arith.addi %mul3A_239, %add3A_240 : i32
        %add3A_242 = vector.broadcast %add3A_241 : i32 to vector<16xi32>
        %add3A_243 = arith.addi %mul3A_165, %add3A_242 : vector<16xi32>
        %gather3A_244 = tpu.vector_load_idx %arg11[%add3A_243] : memref<1088xf32, #tpu.memory_space<vmem>>[vector<16xi32>], vector<16xf32>,
        %mul3A_245 = arith.constant 16 : i32
        %mul3A_246 = arith.muli %scan3A_172, %mul3A_245 : i32
        %mul3A_247 = arith.constant 17 : i32
        %mul3A_248 = arith.muli %mul3A_246, %mul3A_247 : i32
        %add3A_249 = arith.constant 8 : i32
        %add3A_250 = arith.addi %mul3A_248, %add3A_249 : i32
        %add3A_251 = vector.broadcast %add3A_250 : i32 to vector<16xi32>
        %add3A_252 = arith.addi %mul3A_165, %add3A_251 : vector<16xi32>
        %gather3A_253 = tpu.vector_load_idx %arg11[%add3A_252] : memref<1088xf32, #tpu.memory_space<vmem>>[vector<16xi32>], vector<16xf32>,
        %mul3A_254 = arith.constant 16 : i32
        %mul3A_255 = arith.muli %scan3A_172, %mul3A_254 : i32
        %mul3A_256 = arith.constant 17 : i32
        %mul3A_257 = arith.muli %mul3A_255, %mul3A_256 : i32
        %add3A_258 = arith.constant 9 : i32
        %add3A_259 = arith.addi %mul3A_257, %add3A_258 : i32
        %add3A_260 = vector.broadcast %add3A_259 : i32 to vector<16xi32>
        %add3A_261 = arith.addi %mul3A_165, %add3A_260 : vector<16xi32>
        %gather3A_262 = tpu.vector_load_idx %arg11[%add3A_261] : memref<1088xf32, #tpu.memory_space<vmem>>[vector<16xi32>], vector<16xf32>,
        %mul3A_263 = arith.constant 16 : i32
        %mul3A_264 = arith.muli %scan3A_172, %mul3A_263 : i32
        %mul3A_265 = arith.constant 17 : i32
        %mul3A_266 = arith.muli %mul3A_264, %mul3A_265 : i32
        %add3A_267 = arith.constant 10 : i32
        %add3A_268 = arith.addi %mul3A_266, %add3A_267 : i32
        %add3A_269 = vector.broadcast %add3A_268 : i32 to vector<16xi32>
        %add3A_270 = arith.addi %mul3A_165, %add3A_269 : vector<16xi32>
        %gather3A_271 = tpu.vector_load_idx %arg11[%add3A_270] : memref<1088xf32, #tpu.memory_space<vmem>>[vector<16xi32>], vector<16xf32>,
        %mul3A_272 = arith.constant 16 : i32
        %mul3A_273 = arith.muli %scan3A_172, %mul3A_272 : i32
        %mul3A_274 = arith.constant 17 : i32
        %mul3A_275 = arith.muli %mul3A_273, %mul3A_274 : i32
        %add3A_276 = arith.constant 11 : i32
        %add3A_277 = arith.addi %mul3A_275, %add3A_276 : i32
        %add3A_278 = vector.broadcast %add3A_277 : i32 to vector<16xi32>
        %add3A_279 = arith.addi %mul3A_165, %add3A_278 : vector<16xi32>
        %gather3A_280 = tpu.vector_load_idx %arg11[%add3A_279] : memref<1088xf32, #tpu.memory_space<vmem>>[vector<16xi32>], vector<16xf32>,
        %mul3A_281 = arith.constant 16 : i32
        %mul3A_282 = arith.muli %scan3A_172, %mul3A_281 : i32
        %mul3A_283 = arith.constant 17 : i32
        %mul3A_284 = arith.muli %mul3A_282, %mul3A_283 : i32
        %add3A_285 = arith.constant 12 : i32
        %add3A_286 = arith.addi %mul3A_284, %add3A_285 : i32
        %add3A_287 = vector.broadcast %add3A_286 : i32 to vector<16xi32>
        %add3A_288 = arith.addi %mul3A_165, %add3A_287 : vector<16xi32>
        %gather3A_289 = tpu.vector_load_idx %arg11[%add3A_288] : memref<1088xf32, #tpu.memory_space<vmem>>[vector<16xi32>], vector<16xf32>,
        %mul3A_290 = arith.constant 16 : i32
        %mul3A_291 = arith.muli %scan3A_172, %mul3A_290 : i32
        %mul3A_292 = arith.constant 17 : i32
        %mul3A_293 = arith.muli %mul3A_291, %mul3A_292 : i32
        %add3A_294 = arith.constant 13 : i32
        %add3A_295 = arith.addi %mul3A_293, %add3A_294 : i32
        %add3A_296 = vector.broadcast %add3A_295 : i32 to vector<16xi32>
        %add3A_297 = arith.addi %mul3A_165, %add3A_296 : vector<16xi32>
        %gather3A_298 = tpu.vector_load_idx %arg11[%add3A_297] : memref<1088xf32, #tpu.memory_space<vmem>>[vector<16xi32>], vector<16xf32>,
        %mul3A_299 = arith.constant 16 : i32
        %mul3A_300 = arith.muli %scan3A_172, %mul3A_299 : i32
        %mul3A_301 = arith.constant 17 : i32
        %mul3A_302 = arith.muli %mul3A_300, %mul3A_301 : i32
        %add3A_303 = arith.constant 14 : i32
        %add3A_304 = arith.addi %mul3A_302, %add3A_303 : i32
        %add3A_305 = vector.broadcast %add3A_304 : i32 to vector<16xi32>
        %add3A_306 = arith.addi %mul3A_165, %add3A_305 : vector<16xi32>
        %gather3A_307 = tpu.vector_load_idx %arg11[%add3A_306] : memref<1088xf32, #tpu.memory_space<vmem>>[vector<16xi32>], vector<16xf32>,
        %mul3A_308 = arith.constant 16 : i32
        %mul3A_309 = arith.muli %scan3A_172, %mul3A_308 : i32
        %mul3A_310 = arith.constant 17 : i32
        %mul3A_311 = arith.muli %mul3A_309, %mul3A_310 : i32
        %add3A_312 = arith.constant 15 : i32
        %add3A_313 = arith.addi %mul3A_311, %add3A_312 : i32
        %add3A_314 = vector.broadcast %add3A_313 : i32 to vector<16xi32>
        %add3A_315 = arith.addi %mul3A_165, %add3A_314 : vector<16xi32>
        %gather3A_316 = tpu.vector_load_idx %arg11[%add3A_315] : memref<1088xf32, #tpu.memory_space<vmem>>[vector<16xi32>], vector<16xf32>,
        %add3A_317 = arith.addf %gather3A_181, %gather3A_190 : vector<16xf32>
        %add3A_318 = arith.addf %gather3A_199, %gather3A_208 : vector<16xf32>
        %add3A_319 = arith.addf %gather3A_217, %gather3A_226 : vector<16xf32>
        %add3A_320 = arith.addf %gather3A_235, %gather3A_244 : vector<16xf32>
        %add3A_321 = arith.addf %gather3A_253, %gather3A_262 : vector<16xf32>
        %add3A_322 = arith.addf %gather3A_271, %gather3A_280 : vector<16xf32>
        %add3A_323 = arith.addf %gather3A_289, %gather3A_298 : vector<16xf32>
        %add3A_324 = arith.addf %gather3A_307, %gather3A_316 : vector<16xf32>
        %add3A_325 = arith.addf %add3A_317, %add3A_318 : vector<16xf32>
        %add3A_326 = arith.addf %add3A_319, %add3A_320 : vector<16xf32>
        %add3A_327 = arith.addf %add3A_321, %add3A_322 : vector<16xf32>
        %add3A_328 = arith.addf %add3A_323, %add3A_324 : vector<16xf32>
        %add3A_329 = arith.addf %add3A_325, %add3A_326 : vector<16xf32>
        %add3A_330 = arith.addf %add3A_327, %add3A_328 : vector<16xf32>
        %add3A_331 = arith.addf %add3A_329, %add3A_330 : vector<16xf32>
        %sub3A = arith.constant 1.200000e+01 : f32
        %sub3A_332 = vector.broadcast %sub3A : f32 to vector<16xf32>
        %sub3A_333 = arith.subf %sub3A_332, %add3A_331 : vector<16xf32>
        %mul3A_334 = arith.constant 64 : i32
        %mul3A_335 = arith.muli %scan3A_114, %mul3A_334 : i32
        %mul3A_336 = arith.constant 16 : i32
        %mul3A_337 = arith.muli %scan3A_172, %mul3A_336 : i32
        %add3A_338 = arith.addi %mul3A_335, %mul3A_337 : i32
        %swap3A_339 = arith.index_cast %add3A_338 : i32 to index
        %swap3A_340 = tpu.vector_load %arg12[%swap3A_339] {strides = array<i32>} : memref<512xf32, #tpu.memory_space<vmem>>, vector<16xf32>,
        tpu.vector_store %arg12[%swap3A_339], %sub3A_333 {strides = array<i32>} : memref<512xf32, #tpu.memory_space<vmem>>, vector<16xf32>,
      }
      %scan3A_171 = arith.constant 4 : i32
    }
    %scan3A_113 = arith.constant 8 : i32
    "tpu.region"() ({
      %run_scoped3A = tpu.sem_alloc : memref<!tpu.dma_semaphore, #tpu.memory_space<semaphore_mem>>
      %dma_start3A_114 = tpu.memref_slice %arg5[%mul3A_2] : memref<16384xf32, #tpu.memory_space<hbm>> -> memref<512xf32, #tpu.memory_space<hbm>>
      %dma_start3A_115 = tpu.memref_slice %arg5[%mul3A_2] : memref<16384xf32, #tpu.memory_space<hbm>> -> memref<512xf32, #tpu.memory_space<hbm>>
      tpu.enqueue_dma source(%arg12 : memref<512xf32, #tpu.memory_space<vmem>>) target(%dma_start3A_115 : memref<512xf32, #tpu.memory_space<hbm>>) target_semaphore(%run_scoped3A : memref<!tpu.dma_semaphore, #tpu.memory_space<semaphore_mem>>)
      %dma_wait3A = tpu.memref_slice %arg5[%mul3A_2] : memref<16384xf32, #tpu.memory_space<hbm>> -> memref<512xf32, #tpu.memory_space<hbm>>
      %dma_wait3A_116 = tpu.memref_slice %arg5[%mul3A_2] : memref<16384xf32, #tpu.memory_space<hbm>> -> memref<512xf32, #tpu.memory_space<hbm>>
      tpu.wait_dma2 semaphore(%run_scoped3A : memref<!tpu.dma_semaphore, #tpu.memory_space<semaphore_mem>>) src(%arg12 : memref<512xf32, #tpu.memory_space<vmem>>) dst(%dma_wait3A_116 : memref<512xf32, #tpu.memory_space<hbm>>)
      tpu.yield
    }) : () -> ()
    return
  }
}

</mosaic_0001>

<sc_bundles>
// kernel: kernel.3.cloned.1.call-start
scs
__scs_entry_jumppad:
0x0: {  	(pc) =	sbr.rel $0x88, $3  }
0x1: {  	(tag) =	ssettag $0x0;
	lr =	simm.s32 $0x1  }
0x2: {  	[smem:$0x3F9E] =	sst lr;
	_ =	strace $0xD0000000  }
0x3: {  	_ = 	snop  }
0x4: {  	_ = 	snop  }
0x5: {  	_ = 	snop  }
0x6: {  	_ = 	snop  }
0x7: {  	_ = 	snop  }
__scs_overlays_trampoline_lowered:
0x8: {  	[smem:$0x3FAD] =	sst s0  }
0x9: {  	[smem:$0x3FAE] =	sst s1  }
0xa: {  	[smem:$0x3FAF] =	sst s2  }
0xb: {  	[smem:$0x3FB0] =	sst s3  }
0xc: {  	[smem:$0x3FB1] =	sst s4  }
0xd: {  	[smem:$0x3FB2] =	sst s5  }
0xe: {  	[smem:$0x3FB3] =	sst s6  }
0xf: {  	[smem:$0x3FB4] =	sst s7  }
0x10: {  	[smem:$0x3FB5] =	sst s8  }
0x11: {  	[smem:$0x3FB6] =	sst s9;
	s0 =	simm.s32 @!p0 $0x0  }
0x12: {  	s1 =	sld [smem:$0x3F9C];
	s0 =	simm.s32 @p0 $0x1  }
0x13: {  	[smem:$0x3FB7] =	sst s0;
	s0 =	simm.s32 @!p1 $0x0  }
0x14: {  	s2 =	sld [smem:$0x3F9B];
	s0 =	simm.s32 @p1 $0x1  }
0x15: {  	[smem:$0x3FB8] =	sst s0;
	s0 =	simm.s32 @!p2 $0x0  }
0x16: {  	s3 =	sld [smem:$0x3FDB];
	s0 =	simm.s32 @p2 $0x1  }
0x17: {  	s4 =	simm.s32 $0x1BF5;
	[smem:$0x3FBA] =	sst s0  }
0x18: {  	s0 =	sld [smem:$0x3F9D];
	_ =	swait.ge [sflag:s4], $0x0  }
0x19: {  	s7 =	sld [smem:$0x3F9E]  }
0x1a: {  	s8 =	sadd.s32 $0xFFFFE003, lr  }
0x1b: {  	s9 =	sadd.s32 $0xFFFFFEF7, lr;
	s5 =	simm.s32 $0xFFFFFFFF;
	p2 =	slt.u32 s8, $0xFFFFF086  }
0x1c: {  	p1 =	slt.u32 s9, $0xF7A;
	s5 =	simm.s32 @!p2 $0x0  }
0x1d: {  	s5 =	simm.s32 @p1 $0x1;
	p0 =	seq.s32 s7, s2  }
0x1e: {  	s7 =	smul.u32 @!p0 $0xF7A, s2;
	p2 =	seq.s32 @!p0 s5, $0x0  }
0x1f: {  	s9 =	smul.u32 $0xF7A, s1;
	s8 =	simm.s32 @!p0 $0x1BF5;
	p2 =	por !p2, p0  }
0x20: {  	[sflag:s8] =	ssyncset.s32 @!p0 $0xFFFFF086;
	s6 =	sadd.s32 @!p0 s3, s7;
	s7 =	simm.s32 @!p0 $0x108  }
0x21: {  	s3 =	sadd.s32 s3, s9;
	s6 =	sadd.s32 @!p0 $0x88, s6;
	s7 =	simm.s32 @p2 $0x1082  }
0x22: {  	[simem:s7], [sflag:s8] =	dma.local @!p0 [hbm:s6], $0xF7A  }
0x23: {  	s9 =	sor.u32 $0xD0000000, s2;
	s6 =	simm.s32 $0x108;
	_ =	swait.ge @!p0 [sflag:s8], $0x0  }
0x24: {  	s3 =	sadd.s32 $0x88, s3;
	s6 =	simm.s32 @!p1 $0x1082;
	[sflag:s4] =	ssyncset.s32 $0xFFFFF086  }
0x25: {  	[simem:s6], [sflag:s4] =	dma.local [hbm:s3], $0xF7A  }
0x26: {  	[smem:$0x3F9E] =	sst s1;
	(tag) =	ssettag s2;
	_ =	strace s9  }
0x27: {  	s1 =	sld [smem:$0x3FAE]  }
0x28: {  	s2 =	sld [smem:$0x3FAF]  }
0x29: {  	s4 =	sld [smem:$0x3FB1]  }
0x2a: {  	p0 =	seq.s32 s5, $0x0;
	s5 =	sld [smem:$0x3FB2]  }
0x2b: {  	s6 =	sld [smem:$0x3FB3]  }
0x2c: {  	s7 =	sld [smem:$0x3FB4]  }
0x2d: {  	s3 =	simm.s32 $0x108;
	s8 =	sld [smem:$0x3FB5]  }
0x2e: {  	s3 =	simm.s32 @!p0 $0x1082;
	s9 =	sld [smem:$0x3FB6]  }
0x2f: {  	lr =	sadd.s32 s0, s3;
	s0 =	sld [smem:$0x3FAD]  }
0x30: {  	s3 =	sld [smem:$0x3FB0]  }
0x31: {  	[smem:$0x3FB9] =	sst s10  }
0x32: {  	s10 =	sld [smem:$0x3FB7];
	_ =	sdelay $0x3  }
0x33: {  	p0 =	seq.s32 s10, $0x1;
	s10 =	sld [smem:$0x3FB9];
	_ =	sdelay $0x3  }
0x34: {  	[smem:$0x3FB9] =	sst s10  }
0x35: {  	s10 =	sld [smem:$0x3FB8];
	_ =	sdelay $0x3  }
0x36: {  	p1 =	seq.s32 s10, $0x1;
	s10 =	sld [smem:$0x3FB9];
	_ =	sdelay $0x3  }
0x37: {  	[smem:$0x3FB9] =	sst s10  }
0x38: {  	s10 =	sld [smem:$0x3FBA]  }
0x39: {  	_ = 	snop;
	(pc) =	sbr.ind lr, $3  }
0x3a: {  	_ = 	snop  }
0x3b: {  	_ = 	snop  }
0x3c: {  	p2 =	seq.s32 s10, $0x1;
	s10 =	sld [smem:$0x3FB9]  }
0x3d: {  	_ =	shalt  }
0x3e: {  	_ =	shalt  }
0x3f: {  	_ =	shalt  }
0x40: {  	_ =	shalt  }
0x41: {  	_ =	shalt  }
0x42: {  	_ =	shalt  }
0x43: {  	_ =	shalt  }
0x44: {  	_ =	shalt  }
0x45: {  	_ =	shalt  }
0x46: {  	_ =	shalt  }
0x47: {  	_ =	shalt  }
0x48: {  	_ =	shalt  }
0x49: {  	_ =	shalt  }
0x4a: {  	_ =	shalt  }
0x4b: {  	_ =	shalt  }
0x4c: {  	_ =	shalt  }
0x4d: {  	_ =	shalt  }
0x4e: {  	_ =	shalt  }
0x4f: {  	_ =	shalt  }
0x50: {  	_ =	shalt  }
0x51: {  	_ =	shalt  }
0x52: {  	_ =	shalt  }
0x53: {  	_ =	shalt  }
0x54: {  	_ =	shalt  }
0x55: {  	_ =	shalt  }
0x56: {  	_ =	shalt  }
0x57: {  	_ =	shalt  }
0x58: {  	_ =	shalt  }
0x59: {  	_ =	shalt  }
0x5a: {  	_ =	shalt  }
0x5b: {  	_ =	shalt  }
0x5c: {  	_ =	shalt  }
0x5d: {  	_ =	shalt  }
0x5e: {  	_ =	shalt  }
0x5f: {  	_ =	shalt  }
0x60: {  	_ =	shalt  }
0x61: {  	_ =	shalt  }
0x62: {  	_ =	shalt  }
0x63: {  	_ =	shalt  }
0x64: {  	_ =	shalt  }
0x65: {  	_ =	shalt  }
0x66: {  	_ =	shalt  }
0x67: {  	_ =	shalt  }
0x68: {  	_ =	shalt  }
0x69: {  	_ =	shalt  }
0x6a: {  	_ =	shalt  }
0x6b: {  	_ =	shalt  }
0x6c: {  	_ =	shalt  }
0x6d: {  	_ =	shalt  }
0x6e: {  	_ =	shalt  }
0x6f: {  	_ =	shalt  }
0x70: {  	_ =	shalt  }
0x71: {  	_ =	shalt  }
0x72: {  	_ =	shalt  }
0x73: {  	_ =	shalt  }
0x74: {  	_ =	shalt  }
0x75: {  	_ =	shalt  }
0x76: {  	_ =	shalt  }
0x77: {  	_ =	shalt  }
0x78: {  	_ =	shalt  }
0x79: {  	_ =	shalt  }
0x7a: {  	_ =	shalt  }
0x7b: {  	_ =	shalt  }
0x7c: {  	_ =	shalt  }
0x7d: {  	_ =	shalt  }
0x7e: {  	_ =	shalt  }
0x7f: {  	_ =	shalt  }
0x80: {  	_ =	shalt  }
0x81: {  	_ =	shalt  }
0x82: {  	_ =	shalt  }
0x83: {  	_ =	shalt  }
0x84: {  	_ =	shalt  }
0x85: {  	_ =	shalt  }
0x86: {  	_ =	shalt  }
0x87: {  	_ =	shalt  }
.Lfunc_end0:
.L_simem_size_0:
called_computation_lowered:
.L_overlay_start_0:
0x88: {  	s2 =	sld [smem:$0x3FD9]  }
0x89: {  	s3 =	sld [smem:$0x3FFE];
	_ =	sdelay $0x1  }
0x8a: {  	s1 =	srdreg.scid  }
0x8b: {  	s0 =	sand.u32 $0x1, s1  }
0x8c: {  	s17 =	sshll.u32 s0, $0xA;
	s2 =	sadd.s32 s3, s2  }
0x8d: {  	s2 =	sadd.s32 s2, s17  }
0x8e: {  	[smem:$0x3FC5] =	sst s2  }
0x8f: {  	_ = 	snop  }
0x90: {  	s2 =	sld [smem:$0x3FC8]  }
0x91: {  	s18 =	sld [smem:$0x3FC7]  }
0x92: {  	s4 =	sld [smem:$0x3FD0];
	(tm) =	ssettm $0x1  }
0x93: {  	s5 =	sld [smem:$0x3FFB];
	_ =	sdelay $0x3  }
0x94: {  	_ =	strace s5  }
0x95: {  	s5 =	sld [smem:$0x3FFC];
	_ =	sdelay $0x3  }
0x96: {  	_ =	strace s5  }
0x97: {  	s5 =	sld [smem:$0x3FFD];
	_ =	sdelay $0x3  }
0x98: {  	_ =	strace s5  }
0x99: {  	_ =	strace $0x8FFFFFFF  }
0x9a: {  	s19 =	sld [smem:$0x3FDB];
	_ =	sdelay $0x1  }
0x9b: {  	s6 =	simm.s32 $_scs_section_size  }
0x9c: {  	s7 =	simm.s32 $_size__tile_overlayer_lowered;
	s8 =	simm.s32 $_tile_overlayer_lowered  }
0x9d: {  	s22 =	simm.s32 $0x1BFF;
	s21 =	sshll.u32 s8, $0x1;
	s5 =	sadd.s32 s6, s19  }
0x9e: {  	s9 =	simm.s32 $0x0;
	s20 =	sshll.u32 s7, $0x1;
	s7 =	sadd.s32 s21, s5  }
0x9f: {  	[timem:s9], [sflag:s22] =	dma.local [hbm:s7], s20  }
0xa0: {  	_ =	swait.ge [sflag:s22], s20  }
0xa1: {  	s6 =	ssub.s32 $0x0, s20;
	[sflag:s22] =	ssyncset.done $0x0  }
0xa2: {  	[sflag:s22] =	ssyncadd.s32 s6;
	_ =	sdelay $0x1  }
0xa3: {  	s23 =	simm.s32 $0x1B8B  }
0xa4: {  	_ =	swait.ge [sflag:s23], $0x1  }
0xa5: {  	[sflag:s23] =	ssyncset.done $0x0  }
0xa6: {  	s25 =	simm.s32 $0x1B8E;
	s24 =	sld [smem:$0x3FFE];
	[sflag:s23] =	ssyncadd.s32 $0xFFFFFFFF  }
0xa7: {  	s26 =	simm.s32 $execute0_lowered;
	[smem:$0x3FD2] =	sst s25  }
0xa8: {  	s7 =	sshll.u32 s26, $0x1;
	_ =	strace $0x80000046;
	[dreg:$0x1] =	wrdreg $0xFFFFFFFF  }
0xa9: {  	s28 =	simm.s32 $_size_execute0_lowered;
	s5 =	sadd.s32 s5, s7;
	[dreg:$0x0] =	wrdreg $0x0  }
0xaa: {  	s7 =	sshll.u32 s28, $0x1;
	[dreg:$0x2] =	wrdreg s5  }
0xab: {  	[dreg:$0x3] =	wrdreg s7  }
0xac: {  	[dreg:$0x4] =	wrdreg $0xC0  }
0xad: {  	_ =	task [dreg:s9], $0x5FFFF  }
0xae: {  	[dreg:$0x1] =	wrdreg $0xFFFFFFFF  }
0xaf: {  	[dreg:$0x0] =	wrdreg $0x60  }
0xb0: {  	[dreg:$0x2] =	wrdreg s24  }
0xb1: {  	[dreg:$0x3] =	wrdreg s2  }
0xb2: {  	[dreg:$0x4] =	wrdreg s18  }
0xb3: {  	[dreg:$0x5] =	wrdreg s4  }
0xb4: {  	[dreg:$0x6] =	wrdreg $0xD0000  }
0xb5: {  	[dreg:$0x7] =	wrdreg $0x9  }
0xb6: {  	_ =	task.clear_ibuf [dreg:s9], $0x8FFFF;
	_ =	strace $0x90000046  }
0xb7: {  	s29 =	simm.s32 $0x9;
	_ =	strace $0x80000048  }
0xb8: {  	_ =	swait.ge [sflag:s29], $0x1  }
0xb9: {  	[sflag:s29] =	ssyncadd.s32 $0xFFFFFFFF  }
0xba: {  	_ =	strace $0x90000048  }
0xbb: {  	_ =	sfence  }
0xbc: {  	s30 =	sld [smem:$0x0];
	_ =	sdelay $0x2  }
0xbd: {  	s31 =	sshll.u32 s1, $0xD;
	s1 =	sshrl.u32 s1, $0x2  }
0xbe: {  	s3 =	sand.u32 $0x4000, s31;
	s1 =	sadd.s32 s1, s30  }
0xbf: {  	s0 =	sor.u32 s3, s0;
	s1 =	sshll.u32 s1, $0x11  }
0xc0: {  	s0 =	sor.u32 s1, s0  }
0xc1: {  	s0 =	sadd.s32 $0x8F2B, s0  }
0xc2: {  	[sflag:s0] =	ssyncadd.remote.s32 $0x1  }
0xc3: {  	_ =	sfence.sel $0xFFFF  }
0xc4: {  	[dreg:$0x0] =	wrdreg $0xFFFFFFFF;
	(pc) =	sbr.abs _section_cstart, $3  }
0xc5: {  	[dreg:$0x1] =	wrdreg $0xFFFFFFFF  }
0xc6: {  	_ =	task.clear_ibuf [dreg:s9], $0x2FFFF;
	_ =	strace $0x9FFFFFFF  }
0xc7: {  	(tm) =	ssettm $0x7FFFFFFF  }
tec
execute0_lowered:
.L_overlay_start_1:
0x0: {  	(tag) =	ssettag $0x1  }
0x1: {  	s4 =	rddreg [dreg:$0x0]  }
0x2: {  	s5 =	rddreg [dreg:$0x1]  }
0x3: {  	s6 =	rddreg [dreg:$0x2]  }
0x4: {  	s7 =	rddreg [dreg:$0x3]  }
0x5: {  	s1 =	rddreg [dreg:$0x4];
	s3 =	simm.s32 $0x0;
	s8 =	srdreg.scid  }
0x6: {  	s2 =	stileid.u32;
	s13 =	simm.s32 $0x4000;
	s14 =	simm.s32 $0x80  }
0x7: {  	s15 =	simm.s32 $0x600;
	s16 =	simm.s32 $0xC00;
	s17 =	simm.s32 $0x40  }
0x8: {  	s18 =	simm.s32 $0xA00;
	s19 =	simm.s32 $0x4C00;
	s20 =	simm.s32 $0x6C00  }
0x9: {  	s21 =	simm.s32 $0x7040;
	s22 =	simm.s32 $0x0;
	s28 =	smul.u32 $0x3E80, s2  }
0xa: {  	[smem:$0x7FF] =	sst s3;
	s8 =	sand.u32 $0x1, s8;
	s12 =	smul.u32 $0x7D00, s2  }
0xb: {  	v0 =	vlaneseq.u32;
	s9 =	sshll.u32 s2, $0x7;
	s31 =	smul.u32 $0x7D0, s2;
	p0 =	slt.u32 s2, $0x8  }
0xc: {  	v1 =	vmul.u32 $0x2, v0;
	v17 =	vor.u32 $0x400, v0;
	_ =	strace $0x80000047;
	s10 =	sshll.u32 s8, $0x6;
	s8 =	ssub.s32 $0x2, s8  }
0xd: {  	v18 =	vor.u32 $0x200, v0;
	v19 =	vmul.u32 $0x11, v0;
	v20 =	vand.u32 $0x7, v0;
	s9 =	sor.u32 s10, s9;
	s29 =	sshrl.u32 s8, $0x1;
	s30 =	sadd.s32 $0xFFFE0C00, s28  }
0xe: {  	s12 =	sshrl.u32 s12, $0x2;
	s10 =	sadd.s32 s5, s31;
	v2 =	vor.u32 $0x1, v1;
	v3 =	vor.u32 $0x20, v1;
	v4 =	vor.u32 $0x21, v1;
	s11 =	sadd.s32 s9, s4  }
0xf: {  	v5 =	vor.u32 $0x40, v1;
	v6 =	vor.u32 $0x41, v1;
	v7 =	vor.u32 $0x60, v1;
	s8 =	ssub.s32 s8, s29;
	s4 =	sshrl.u32 s30, $0x3;
	s5 =	sadd.s32 s12, s1  }
0x10: {  	v8 =	vor.u32 $0x61, v1;
	v9 =	vor.u32 $0x3E00, v1;
	v10 =	vor.u32 $0x3E01, v1;
	s7 =	sadd.s32 s7, s9;
	s9 =	simm.s32 $0x7240;
	s12 =	simm.s32 $0x200  }
0x11: {  	v11 =	vor.u32 $0x3E20, v1;
	v12 =	vor.u32 $0x3E21, v1;
	v13 =	vor.u32 $0x3E40, v1;
	s4 =	sadd.s32 s6, s4;
	s6 =	sadd.s32 $0x400, s11;
	s8 =	smax.u32 s8, $0x1  }
0x12: {  	v14 =	vor.u32 $0x3E41, v1;
	v15 =	vor.u32 $0x3E60, v1;
	v16 =	vor.u32 $0x3E61, v1;
	s11 =	simm.s32 $0xB0C0;
	s4 =	smov.u32 @p0 s10;
	s10 =	simm.s32 $0x7  }
.LBB2_1:
0x13: {  	s24 =	simm.s32 $0x0  }
0x14: {  	v21 =	vor.u32 s24, v1  }
0x15: {  	[tilespmem:s9], [sflag:$0x7] =	stream.linear.gather [hbm4b:s4+s3], $0x3E80, $0x38;
	v22 =	vor.u32 s24, v2;
	[tilespmem:$0xEF40] =	vst v63  }
0x16: {  	_ =	swait.ge [sflag:s10], $0x3E80  }
0x17: {  	[sflag:s10] =	ssyncset.done $0x0  }
0x18: {  	[sflag:s10] =	ssyncadd.s32 $0xFFFFC180  }
0x19: {  	v21 =	vld.idx.msk [tilespmem:v21+s9+$0x0], $0xffff  }
0x1a: {  	v22 =	vld.idx.msk [tilespmem:v22+s9+$0x0], $0xffff;
	_ =	sdelay $0x1  }
0x1b: {  	v23 =	vor.u32 s24, v3  }
0x1c: {  	v24 =	vor.u32 s24, v4;
	_ =	sdelay $0x1  }
0x1d: {  	s23 =	simm.s32 $0xB100;
	v21 =	vpack.i.f32.bf16 v22, v21  }
0x1e: {  	[tilespmem:s23+$0xFFFFFFC0] =	vst v21  }
0x1f: {  	v21 =	vld.idx.msk [tilespmem:v23+s9+$0x0], $0xffff  }
0x20: {  	v22 =	vld.idx.msk [tilespmem:v24+s9+$0x0], $0xffff;
	_ =	sdelay $0x1  }
0x21: {  	v23 =	vor.u32 s24, v5  }
0x22: {  	v59 =	vor.u32 s24, v6;
	_ =	sdelay $0x1  }
0x23: {  	v21 =	vpack.i.f32.bf16 v22, v21  }
0x24: {  	[tilespmem:s23+$0xFFFFFFD0] =	vst v21  }
0x25: {  	v21 =	vld.idx.msk [tilespmem:v23+s9+$0x0], $0xffff  }
0x26: {  	v22 =	vld.idx.msk [tilespmem:v59+s9+$0x0], $0xffff;
	_ =	sdelay $0x1  }
0x27: {  	v23 =	vor.u32 s24, v7  }
0x28: {  	v60 =	vor.u32 s24, v8;
	_ =	sdelay $0x1  }
0x29: {  	v21 =	vpack.i.f32.bf16 v22, v21  }
0x2a: {  	[tilespmem:s23+$0xFFFFFFE0] =	vst v21  }
0x2b: {  	v21 =	vld.idx.msk [tilespmem:v23+s9+$0x0], $0xffff  }
0x2c: {  	v22 =	vld.idx.msk [tilespmem:v60+s9+$0x0], $0xffff  }
0x2d: {  	s25 =	simm.s32 $0x80  }
0x2e: {  	v23 =	vor.u32 s25, v1  }
0x2f: {  	v61 =	vor.u32 s25, v2;
	_ =	sdelay $0x1  }
0x30: {  	v21 =	vpack.i.f32.bf16 v22, v21  }
0x31: {  	[tilespmem:s23+$0xFFFFFFF0] =	vst v21  }
0x32: {  	v21 =	vld.idx.msk [tilespmem:v23+s9+$0x0], $0xffff  }
0x33: {  	v22 =	vld.idx.msk [tilespmem:v61+s9+$0x0], $0xffff;
	_ =	sdelay $0x1  }
0x34: {  	v23 =	vor.u32 s25, v3  }
0x35: {  	v62 =	vor.u32 s25, v4;
	_ =	sdelay $0x1  }
0x36: {  	v21 =	vpack.i.f32.bf16 v22, v21  }
0x37: {  	[tilespmem:s23+$0x0] =	vst v21  }
0x38: {  	v21 =	vld.idx.msk [tilespmem:v23+s9+$0x0], $0xffff  }
0x39: {  	v22 =	vld.idx.msk [tilespmem:v62+s9+$0x0], $0xffff;
	_ =	sdelay $0x1  }
0x3a: {  	v23 =	vor.u32 s25, v5  }
0x3b: {  	v63 =	vor.u32 s25, v6;
	_ =	sdelay $0x1  }
0x3c: {  	v21 =	vpack.i.f32.bf16 v22, v21  }
0x3d: {  	[tilespmem:s23+$0x10] =	vst v21  }
0x3e: {  	v21 =	vld.idx.msk [tilespmem:v23+s9+$0x0], $0xffff  }
0x3f: {  	v22 =	vld.idx.msk [tilespmem:v63+s9+$0x0], $0xffff;
	_ =	sdelay $0x4  }
0x40: {  	v23 =	vpack.i.f32.bf16 v22, v21;
	v22 =	vor.u32 s25, v7  }
0x41: {  	v21 =	vor.u32 s25, v8;
	_ =	sdelay $0x1  }
0x42: {  	s24 =	simm.s32 $0x2;
	s25 =	simm.s32 $0xB100;
	[tilespmem:s23+$0x20] =	vst v23  }
.LBB2_2:
0x43: {  	p0 =	slt.u32 s24, $0x7A  }
0x44: {  	v22 =	vld.idx.msk [tilespmem:v22+s9+$0x0], $0xffff;
	s23 =	sadd.s32 $0x80, s23;
	s26 =	smov.u32 s24;
	s24 =	sadd.s32 $0x2, s24  }
0x45: {  	v21 =	vld.idx.msk [tilespmem:v21+s9+$0x0], $0xffff;
	_ =	sdelay $0x1  }
0x46: {  	s28 =	sshll.u32 s26, $0x7  }
0x47: {  	v23 =	vor.u32 s28, v1;
	v24 =	vor.u32 s28, v2;
	s26 =	sadd.s32 $0x80, s28;
	_ =	sdelay $0x2  }
0x48: {  	v21 =	vpack.i.f32.bf16 v21, v22  }
0x49: {  	[tilespmem:s25+$0x30] =	vst v21;
	s25 =	smov.u32 s23  }
0x4a: {  	v21 =	vld.idx.msk [tilespmem:v23+s9+$0x0], $0xffff  }
0x4b: {  	v22 =	vld.idx.msk [tilespmem:v24+s9+$0x0], $0xffff;
	_ =	sdelay $0x2  }
0x4c: {  	v23 =	vor.u32 s28, v3;
	v24 =	vor.u32 s28, v4;
	_ =	sdelay $0x2  }
0x4d: {  	v21 =	vpack.i.f32.bf16 v22, v21  }
0x4e: {  	[tilespmem:s23+$0xFFFFFFC0] =	vst v21  }
0x4f: {  	v21 =	vld.idx.msk [tilespmem:v23+s9+$0x0], $0xffff  }
0x50: {  	v22 =	vld.idx.msk [tilespmem:v24+s9+$0x0], $0xffff;
	_ =	sdelay $0x2  }
0x51: {  	v23 =	vor.u32 s28, v5;
	v24 =	vor.u32 s28, v6;
	_ =	sdelay $0x2  }
0x52: {  	v21 =	vpack.i.f32.bf16 v22, v21  }
0x53: {  	[tilespmem:s23+$0xFFFFFFD0] =	vst v21  }
0x54: {  	v21 =	vld.idx.msk [tilespmem:v23+s9+$0x0], $0xffff  }
0x55: {  	v22 =	vld.idx.msk [tilespmem:v24+s9+$0x0], $0xffff;
	_ =	sdelay $0x2  }
0x56: {  	v23 =	vor.u32 s28, v7;
	v24 =	vor.u32 s28, v8;
	_ =	sdelay $0x2  }
0x57: {  	v21 =	vpack.i.f32.bf16 v22, v21  }
0x58: {  	[tilespmem:s23+$0xFFFFFFE0] =	vst v21  }
0x59: {  	v21 =	vld.idx.msk [tilespmem:v23+s9+$0x0], $0xffff  }
0x5a: {  	v22 =	vld.idx.msk [tilespmem:v24+s9+$0x0], $0xffff;
	_ =	sdelay $0x2  }
0x5b: {  	v23 =	vor.u32 s26, v1;
	v24 =	vor.u32 s26, v2;
	_ =	sdelay $0x2  }
0x5c: {  	v21 =	vpack.i.f32.bf16 v22, v21  }
0x5d: {  	[tilespmem:s23+$0xFFFFFFF0] =	vst v21  }
0x5e: {  	v21 =	vld.idx.msk [tilespmem:v23+s9+$0x0], $0xffff  }
0x5f: {  	v22 =	vld.idx.msk [tilespmem:v24+s9+$0x0], $0xffff;
	_ =	sdelay $0x2  }
0x60: {  	v23 =	vor.u32 s26, v3;
	v24 =	vor.u32 s26, v4;
	_ =	sdelay $0x2  }
0x61: {  	v21 =	vpack.i.f32.bf16 v22, v21  }
0x62: {  	[tilespmem:s23+$0x0] =	vst v21  }
0x63: {  	v21 =	vld.idx.msk [tilespmem:v23+s9+$0x0], $0xffff  }
0x64: {  	v22 =	vld.idx.msk [tilespmem:v24+s9+$0x0], $0xffff;
	_ =	sdelay $0x2  }
0x65: {  	v23 =	vor.u32 s26, v5;
	v24 =	vor.u32 s26, v6;
	_ =	sdelay $0x2  }
0x66: {  	v21 =	vpack.i.f32.bf16 v22, v21  }
0x67: {  	[tilespmem:s23+$0x10] =	vst v21  }
0x68: {  	v23 =	vld.idx.msk [tilespmem:v23+s9+$0x0], $0xffff  }
0x69: {  	v24 =	vld.idx.msk [tilespmem:v24+s9+$0x0], $0xffff;
	_ =	sdelay $0x2  }
.Ltmp0:
0x6a: {  	v22 =	vor.u32 s26, v7;
	v21 =	vor.u32 s26, v8;
	(pc) =	sbr.rel @p0 .LBB2_2-.Ltmp0, $3  }
0x6b: {  	_ =	sdelay $0x1  }
0x6c: {  	v23 =	vpack.i.f32.bf16 v24, v23  }
0x6d: {  	[tilespmem:s23+$0x20] =	vst v23  }
0x6e: {  	_ =	sdelay $0x3  }
0x6f: {  	v22 =	vld.idx.msk [tilespmem:v22+s9+$0x0], $0xffff  }
0x70: {  	v21 =	vld.idx.msk [tilespmem:v21+s9+$0x0], $0xffff;
	_ =	sdelay $0x4  }
0x71: {  	v21 =	vpack.i.f32.bf16 v21, v22  }
0x72: {  	[tilespmem:s25+$0x30] =	vst v21  }
0x73: {  	v21 =	vld.idx.msk [tilespmem:v9+s9+$0x0], $0xffff  }
0x74: {  	v22 =	vld.idx.msk [tilespmem:v10+s9+$0x0], $0xffff;
	_ =	sdelay $0x4  }
0x75: {  	v21 =	vpack.i.f32.bf16 v22, v21  }
0x76: {  	[tilespmem:$0xCFC0] =	vst v21  }
0x77: {  	v21 =	vld.idx.msk [tilespmem:v11+s9+$0x0], $0xffff  }
0x78: {  	v22 =	vld.idx.msk [tilespmem:v12+s9+$0x0], $0xffff;
	_ =	sdelay $0x4  }
0x79: {  	v21 =	vpack.i.f32.bf16 v22, v21  }
0x7a: {  	[tilespmem:$0xCFD0] =	vst v21  }
0x7b: {  	v21 =	vld.idx.msk [tilespmem:v13+s9+$0x0], $0xffff  }
0x7c: {  	v22 =	vld.idx.msk [tilespmem:v14+s9+$0x0], $0xffff;
	_ =	sdelay $0x4  }
0x7d: {  	v21 =	vpack.i.f32.bf16 v22, v21  }
0x7e: {  	[tilespmem:$0xCFE0] =	vst v21  }
0x7f: {  	v21 =	vld.idx.msk [tilespmem:v15+s9+$0x0], $0xffff  }
0x80: {  	v22 =	vld.idx.msk [tilespmem:v16+s9+$0x0], $0xffff;
	_ =	sdelay $0x4  }
0x81: {  	v21 =	vpack.i.f32.bf16 v22, v21  }
0x82: {  	[tilespmem:$0xCFF0] =	vst v21  }
0x83: {  	[spmem:s5] =	stream.linear.scatter [tilespmem:s11], [sflag:$0x7], $0x1F40, $0x38;
	[tilespmem:$0xEF40] =	vst v63  }
0x84: {  	_ =	swait.ge [sflag:s10], $0x1F40  }
0x85: {  	s23 =	simm.s32 $0x0;
	[sflag:s10] =	ssyncset.done $0x0  }
0x86: {  	v21 =	vor.u32 s23, v0;
	[sflag:s10] =	ssyncadd.s32 $0xFFFFE0C0  }
0x87: {  	[tilespmem:s23], [sflag:$0x7] =	stream.strided.gather [hbm4b:s6+s12], $0x600, s13, s12, $0x38;
	[tilespmem:$0xEF40] =	vst v63  }
0x88: {  	_ =	swait.ge [sflag:s10], $0x600  }
0x89: {  	[sflag:s10] =	ssyncset.done $0x0  }
0x8a: {  	[sflag:s10] =	ssyncadd.s32 $0xFFFFFA00  }
0x8b: {  	v21 =	vld.idx.msk [tilespmem:v21+s3+$0x0], $0xffff  }
0x8c: {  	v22 =	vor.u32 s23, v17;
	_ =	sdelay $0x1  }
0x8d: {  	s24 =	sand.u32 $0x380, s23;
	s29 =	sand.u32 $0x30, s23  }
0x8e: {  	s24 =	sor.u32 s29, s24  }
0x8f: {  	[tilespmem:s24+$0x600] =	vst v21  }
0x90: {  	v21 =	vld.idx.msk [tilespmem:v22+s3+$0x0], $0xffff  }
0x91: {  	v22 =	vor.u32 s23, v18;
	_ =	sdelay $0x3  }
0x92: {  	[tilespmem:s24+$0x640] =	vst v21  }
0x93: {  	v21 =	vld.idx.msk [tilespmem:v22+s3+$0x0], $0xffff  }
0x94: {  	s30 =	simm.s32 $0x10  }
0x95: {  	v22 =	vor.u32 s30, v0;
	_ =	sdelay $0x2  }
0x96: {  	s23 =	simm.s32 $0xA00;
	v21 =	vadd.s32 $0x3E8, v21  }
0x97: {  	[tilespmem:s23+$0x0] =	vst v21  }
0x98: {  	v21 =	vld.idx.msk [tilespmem:v22+s3+$0x0], $0xffff  }
0x99: {  	v22 =	vor.u32 s30, v17  }
0x9a: {  	s31 =	simm.s32 $0x20  }
0x9b: {  	s26 =	sand.u32 $0x30, s30;
	s25 =	sand.u32 $0x380, s31  }
0x9c: {  	s25 =	sor.u32 s26, s25  }
0x9d: {  	[tilespmem:s25+$0x600] =	vst v21  }
0x9e: {  	v21 =	vld.idx.msk [tilespmem:v22+s3+$0x0], $0xffff  }
0x9f: {  	v22 =	vor.u32 s30, v18;
	_ =	sdelay $0x3  }
0xa0: {  	[tilespmem:s25+$0x640] =	vst v21  }
0xa1: {  	v22 =	vld.idx.msk [tilespmem:v22+s3+$0x0], $0xffff  }
0xa2: {  	s24 =	simm.s32 $0x20  }
0xa3: {  	s26 =	simm.s32 $0x60;
	s25 =	simm.s32 $0x40;
	v21 =	vor.u32 s24, v0  }
.LBB2_4:
0xa4: {  	p0 =	sne.s32 s26, $0x3E0;
	_ =	sdelay $0x1  }
0xa5: {  	s23 =	sadd.s32 $0x10, s23;
	v22 =	vadd.s32 $0x3E8, v22  }
0xa6: {  	[tilespmem:s23+$0x0] =	vst v22  }
0xa7: {  	v21 =	vld.idx.msk [tilespmem:v21+s3+$0x0], $0xffff;
	_ =	sdelay $0x1  }
0xa8: {  	v22 =	vor.u32 s24, v17;
	_ =	sdelay $0x1  }
0xa9: {  	s28 =	sand.u32 $0x380, s25;
	s29 =	sand.u32 $0x30, s24;
	s25 =	smov.u32 s26  }
0xaa: {  	s28 =	sor.u32 s29, s28  }
0xab: {  	[tilespmem:s28+$0x600] =	vst v21  }
0xac: {  	v21 =	vld.idx.msk [tilespmem:v22+s3+$0x0], $0xffff;
	_ =	sdelay $0x1  }
0xad: {  	v22 =	vor.u32 s24, v18;
	_ =	sdelay $0x3  }
.Ltmp1:
0xae: {  	[tilespmem:s28+$0x640] =	vst v21;
	(pc) =	sbr.rel @p0 .LBB2_4-.Ltmp1, $3  }
0xaf: {  	v22 =	vld.idx.msk [tilespmem:v22+s3+$0x0], $0xffff;
	_ =	sdelay $0x1  }
0xb0: {  	s24 =	sadd.s32 $0x10, s24  }
0xb1: {  	s26 =	sadd.s32 $0x20, s26;
	v21 =	vor.u32 s24, v0  }
0xb2: {  	_ =	sdelay $0x1  }
0xb3: {  	s23 =	sadd.s32 $0x10, s23;
	v22 =	vadd.s32 $0x3E8, v22  }
0xb4: {  	[tilespmem:s23+$0x0] =	vst v22  }
0xb5: {  	v21 =	vld.idx.msk [tilespmem:v21+s3+$0x0], $0xffff  }
0xb6: {  	v22 =	vor.u32 s24, v17;
	_ =	sdelay $0x1  }
0xb7: {  	s25 =	sand.u32 $0x380, s25;
	s26 =	sand.u32 $0x30, s24  }
0xb8: {  	s25 =	sor.u32 s26, s25  }
0xb9: {  	[tilespmem:s25+$0x600] =	vst v21  }
0xba: {  	v21 =	vld.idx.msk [tilespmem:v22+s3+$0x0], $0xffff  }
0xbb: {  	v22 =	vor.u32 s24, v18;
	_ =	sdelay $0x3  }
0xbc: {  	[tilespmem:s25+$0x640] =	vst v21  }
0xbd: {  	v21 =	vld.idx.msk [tilespmem:v22+s3+$0x0], $0xffff;
	_ =	sdelay $0x4  }
0xbe: {  	s23 =	sadd.s32 $0x10, s23;
	v21 =	vadd.s32 $0x3E8, v21  }
0xbf: {  	[tilespmem:s23+$0x0] =	vst v21  }
0xc0: {  	[bflag:$0x0] =	sbarrier.arrive $0xFFFF  }
0xc1: {  	[tilespmem:s16], [sflag:$0x1] =	stream.indirect.gather [spmem:s1], $0x40, s15, s14, $0xb8;
	[tilespmem:$0xEF40] =	vst v63  }
0xc2: {  	p0 =	por $0x0, $0x0;
	s24 =	simm.s32 $0x0;
	s23 =	simm.s32 $0x7040  }
0xc3: {  	[tilespmem:s19], [sflag:$0x2] =	stream.indirect.gather [spmem:s1], $0x40, s18, s17, $0xb8;
	[tilespmem:$0xEF40] =	vst v63  }
.LBB2_7:
0xc4: {  	s25 =	sand.u32 $0x1, s24;
	p1 =	seq.s32 s24, $0x7  }
0xc5: {  	s26 =	sxor.u32 @!p1 $0x1, s25  }
0xc6: {  	s24 =	sadd.s32 $0x1, s24;
	s28 =	smul.u32 @!p1 $0xC, s26  }
0xc7: {  	s30 =	sshll.u32 @!p1 s24, $0x7;
	s0 =	simm.s32 @!p1 $0x80  }
0xc8: {  	s29 =	sshll.u32 @!p1 s26, $0xD;
	s30 =	sand.u32 @!p1 $0x3FFFFF80, s30;
	s28 =	sshrl.u32 @!p1 s28, $0x2  }
0xc9: {  	s29 =	sor.u32 @!p1 $0xC00, s29;
	s30 =	sadd.s32 @!p1 $0x600, s30;
	s31 =	sadd.s32 @!p1 $0x1, s28  }
0xca: {  	[tilespmem:s29], [sflag:s31] =	stream.indirect.gather @!p1 [spmem:s1], $0x40, s30, s0, $0xb8;
	[tilespmem:$0xEF40] =	vst v63  }
0xcb: {  	s26 =	sshll.u32 @!p1 s26, $0xC;
	s0 =	sshll.u32 @!p1 s24, $0x6  }
0xcc: {  	s25 =	smul.u32 $0xC, s25;
	s26 =	sor.u32 @!p1 $0x4C00, s26;
	s0 =	sand.u32 @!p1 $0x3FFFFFC0, s0  }
0xcd: {  	s28 =	sadd.s32 @!p1 $0x2, s28;
	s29 =	simm.s32 @!p1 $0x40;
	s0 =	sadd.s32 @!p1 $0xA00, s0  }
0xce: {  	[tilespmem:s26], [sflag:s28] =	stream.indirect.gather @!p1 [spmem:s1], $0x40, s0, s29, $0xb8;
	[tilespmem:$0xEF40] =	vst v63  }
0xcf: {  	s0 =	sshrl.u32 s25, $0x2  }
0xd0: {  	s25 =	sadd.s32 $0x1, s0  }
0xd1: {  	_ =	swait.ge [sflag:s25], $0x2000  }
0xd2: {  	[sflag:s25] =	ssyncset.done $0x0  }
0xd3: {  	s26 =	simm.s32 $0x1;
	s0 =	sadd.s32 $0x2, s0;
	[sflag:s25] =	ssyncadd.s32 $0xFFFFE000  }
0xd4: {  	s26 =	simm.s32 @!p0 $0x0;
	_ =	swait.ge [sflag:s0], $0x1000  }
0xd5: {  	s25 =	sshll.u32 s26, $0xD;
	[sflag:s0] =	ssyncset.done $0x0  }
0xd6: {  	s25 =	sor.u32 $0x1C00, s25;
	[sflag:s0] =	ssyncadd.s32 $0xFFFFF000  }
0xd7: {  	v21 =	vld [tilespmem:s25+$0xFFFFF000]  }
0xd8: {  	s26 =	sshll.u32 s26, $0xC;
	v22 =	vld [tilespmem:s25+$0x20]  }
0xd9: {  	s26 =	sor.u32 $0x4C40, s26;
	v23 =	vld [tilespmem:s25+$0x30]  }
0xda: {  	v24 =	vld [tilespmem:s26+$0xFFFFFFF0]  }
0xdb: {  	v25 =	vld [tilespmem:s25+$0xFFFFF030]  }
0xdc: {  	v26 =	vld [tilespmem:s26+$0xFFFFFFE0]  }
0xdd: {  	v27 =	vld [tilespmem:s25+$0xFFFFF020]  }
0xde: {  	v30 =	vld [tilespmem:s26+$0xFFFFFFC0]  }
0xdf: {  	v28 =	vld [tilespmem:s26+$0xFFFFFFD0]  }
0xe0: {  	v31 =	vld [tilespmem:s25+$0x0]  }
0xe1: {  	v29 =	vld [tilespmem:s25+$0xFFFFF010]  }
0xe2: {  	v24 =	vadd.bf16 v24, v25  }
0xe3: {  	v25 =	vld [tilespmem:s25+$0x10];
	v26 =	vadd.bf16 v26, v27;
	v21 =	vadd.bf16 v30, v21  }
0xe4: {  	v23 =	vsub.bf16 v24, v23  }
0xe5: {  	v22 =	vsub.bf16 v26, v22;
	v21 =	vsub.bf16 v21, v31  }
0xe6: {  	v24 =	vadd.bf16 v28, v29  }
0xe7: {  	v23 =	vand.u32 $0x7FFF7FFF, v23;
	v22 =	vand.u32 $0x7FFF7FFF, v22;
	v21 =	vand.u32 $0x7FFF7FFF, v21  }
0xe8: {  	v26 =	vunpack.i.u.bf16.f32 v23;
	v23 =	vunpack.i.l.bf16.f32 v23;
	v24 =	vsub.bf16 v24, v25  }
0xe9: {  	v25 =	vunpack.i.u.bf16.f32 v22;
	v22 =	vunpack.i.l.bf16.f32 v22;
	v23 =	vadd.f32 v23, v26  }
0xea: {  	v22 =	vadd.f32 v22, v25;
	v26 =	vunpack.i.u.bf16.f32 v21;
	v24 =	vand.u32 $0x7FFF7FFF, v24  }
0xeb: {  	v21 =	vunpack.i.l.bf16.f32 v21;
	v25 =	vunpack.i.u.bf16.f32 v24;
	v24 =	vunpack.i.l.bf16.f32 v24  }
0xec: {  	v21 =	vadd.f32 v21, v26;
	v24 =	vadd.f32 v24, v25;
	_ =	sdelay $0x1  }
0xed: {  	v22 =	vadd.f32 v23, v22;
	v21 =	vadd.f32 v24, v21;
	_ =	sdelay $0x1  }
0xee: {  	v21 =	vadd.f32 v22, v21  }
0xef: {  	s28 =	simm.s32 $0x6C00  }
0xf0: {  	[tilespmem:s28+$0x0] =	vst v21  }
0xf1: {  	v21 =	vld [tilespmem:s25+$0x60]  }
0xf2: {  	v22 =	vld [tilespmem:s25+$0x70]  }
0xf3: {  	v23 =	vld [tilespmem:s26+$0x30]  }
0xf4: {  	v24 =	vld [tilespmem:s25+$0xFFFFF070]  }
0xf5: {  	v25 =	vld [tilespmem:s26+$0x0]  }
0xf6: {  	v26 =	vld [tilespmem:s26+$0x10]  }
0xf7: {  	v27 =	vld [tilespmem:s26+$0x20]  }
0xf8: {  	v59 =	vld [tilespmem:s25+$0xFFFFF060]  }
0xf9: {  	v60 =	vld [tilespmem:s25+$0xFFFFF050]  }
0xfa: {  	v61 =	vld [tilespmem:s25+$0xFFFFF040]  }
0xfb: {  	v23 =	vadd.bf16 v23, v24;
	v24 =	vld [tilespmem:s25+$0x50]  }
0xfc: {  	v62 =	vld [tilespmem:s25+$0x40]  }
0xfd: {  	v22 =	vsub.bf16 v23, v22;
	v23 =	vadd.bf16 v27, v59  }
0xfe: {  	v26 =	vadd.bf16 v26, v60  }
0xff: {  	v25 =	vadd.bf16 v25, v61;
	v22 =	vand.u32 $0x7FFF7FFF, v22;
	v21 =	vsub.bf16 v23, v21  }
0x100: {  	s30 =	simm.s32 $0x0;
	v27 =	vunpack.i.u.bf16.f32 v22;
	v63 =	vunpack.i.l.bf16.f32 v22;
	v23 =	vsub.bf16 v26, v24  }
0x101: {  	s29 =	simm.s32 $0x6C00;
	s31 =	sadd.s32 $0x80, s26;
	s26 =	simm.s32 $0xF;
	v24 =	vsub.bf16 v25, v62;
	v22 =	vand.u32 $0x7FFF7FFF, v21;
	v21 =	vadd.f32 v63, v27  }
.LBB2_8:
0x102: {  	s30 =	sadd.s32 $0x2, s30;
	s25 =	sadd.s32 $0x80, s25;
	s28 =	sadd.s32 $0x22, s28  }
0x103: {  	p1 =	slt.u32 s30, $0x3E;
	v24 =	vand.u32 $0x7FFF7FFF, v24  }
0x104: {  	v23 =	vand.u32 $0x7FFF7FFF, v23;
	v25 =	vunpack.i.u.bf16.f32 v24;
	v24 =	vunpack.i.l.bf16.f32 v24  }
0x105: {  	v27 =	vunpack.i.u.bf16.f32 v22;
	v22 =	vunpack.i.l.bf16.f32 v22;
	v26 =	vunpack.i.u.bf16.f32 v23  }
0x106: {  	v23 =	vunpack.i.l.bf16.f32 v23;
	v22 =	vadd.f32 v22, v27;
	v24 =	vadd.f32 v24, v25  }
0x107: {  	v23 =	vadd.f32 v23, v26  }
0x108: {  	v21 =	vadd.f32 v21, v22  }
0x109: {  	v22 =	vadd.f32 v23, v24;
	_ =	sdelay $0x1  }
0x10a: {  	v21 =	vadd.f32 v21, v22;
	_ =	sdelay $0x1  }
0x10b: {  	[tilespmem:s29+$0x11] =	vst v21;
	s29 =	smov.u32 s28  }
0x10c: {  	v21 =	vld [tilespmem:s25+$0xFFFFF000]  }
0x10d: {  	v22 =	vld [tilespmem:s25+$0x20]  }
0x10e: {  	v23 =	vld [tilespmem:s25+$0x30]  }
0x10f: {  	v24 =	vld [tilespmem:s31+$0xFFFFFFF0]  }
0x110: {  	v25 =	vld [tilespmem:s25+$0xFFFFF030]  }
0x111: {  	v26 =	vld [tilespmem:s31+$0xFFFFFFE0]  }
0x112: {  	v27 =	vld [tilespmem:s25+$0xFFFFF020]  }
0x113: {  	v28 =	vld [tilespmem:s31+$0xFFFFFFD0]  }
0x114: {  	v29 =	vld [tilespmem:s25+$0xFFFFF010]  }
0x115: {  	v30 =	vld [tilespmem:s31+$0xFFFFFFC0];
	v24 =	vadd.bf16 v24, v25  }
0x116: {  	v25 =	vld [tilespmem:s25+$0x10]  }
0x117: {  	v31 =	vld [tilespmem:s25+$0x0];
	v26 =	vadd.bf16 v26, v27;
	v23 =	vsub.bf16 v24, v23;
	_ =	sdelay $0x1  }
0x118: {  	v24 =	vadd.bf16 v28, v29;
	v22 =	vsub.bf16 v26, v22;
	v23 =	vand.u32 $0x7FFF7FFF, v23  }
0x119: {  	v21 =	vadd.bf16 v30, v21;
	v26 =	vunpack.i.u.bf16.f32 v23;
	v23 =	vunpack.i.l.bf16.f32 v23  }
0x11a: {  	v24 =	vsub.bf16 v24, v25;
	v22 =	vand.u32 $0x7FFF7FFF, v22;
	v23 =	vadd.f32 v23, v26  }
0x11b: {  	v21 =	vsub.bf16 v21, v31;
	v25 =	vunpack.i.u.bf16.f32 v22;
	v22 =	vunpack.i.l.bf16.f32 v22  }
0x11c: {  	v24 =	vand.u32 $0x7FFF7FFF, v24;
	v22 =	vadd.f32 v22, v25  }
0x11d: {  	v21 =	vand.u32 $0x7FFF7FFF, v21;
	v25 =	vunpack.i.u.bf16.f32 v24  }
0x11e: {  	v24 =	vunpack.i.l.bf16.f32 v24;
	v26 =	vunpack.i.u.bf16.f32 v21;
	v21 =	vunpack.i.l.bf16.f32 v21  }
0x11f: {  	v24 =	vadd.f32 v24, v25;
	v21 =	vadd.f32 v21, v26;
	_ =	sdelay $0x1  }
0x120: {  	v22 =	vadd.f32 v23, v22;
	v21 =	vadd.f32 v24, v21;
	_ =	sdelay $0x1  }
0x121: {  	v21 =	vadd.f32 v22, v21;
	_ =	sdelay $0x1  }
0x122: {  	[tilespmem:s28+$0x0] =	vst v21  }
0x123: {  	v21 =	vld [tilespmem:s25+$0x60]  }
0x124: {  	v22 =	vld [tilespmem:s25+$0x70]  }
0x125: {  	v23 =	vld [tilespmem:s31+$0x30]  }
0x126: {  	v24 =	vld [tilespmem:s25+$0xFFFFF070]  }
0x127: {  	v25 =	vld [tilespmem:s31+$0x0]  }
0x128: {  	v26 =	vld [tilespmem:s31+$0x10]  }
0x129: {  	v27 =	vld [tilespmem:s31+$0x20]  }
0x12a: {  	v28 =	vld [tilespmem:s25+$0xFFFFF060]  }
0x12b: {  	v29 =	vld [tilespmem:s25+$0xFFFFF050];
	v23 =	vadd.bf16 v23, v24  }
0x12c: {  	v24 =	vld [tilespmem:s25+$0xFFFFF040]  }
0x12d: {  	v30 =	vld [tilespmem:s25+$0x50];
	v22 =	vsub.bf16 v23, v22  }
0x12e: {  	v31 =	vld [tilespmem:s25+$0x40]  }
.Ltmp2:
0x12f: {  	v23 =	vadd.bf16 v27, v28;
	v22 =	vand.u32 $0x7FFF7FFF, v22;
	(pc) =	sbr.rel @p1 .LBB2_8-.Ltmp2, $4  }
0x130: {  	v26 =	vadd.bf16 v26, v29;
	v27 =	vunpack.i.u.bf16.f32 v22  }
0x131: {  	v24 =	vadd.bf16 v25, v24;
	v21 =	vsub.bf16 v23, v21;
	v25 =	vunpack.i.l.bf16.f32 v22  }
0x132: {  	v23 =	vsub.bf16 v26, v30  }
0x133: {  	s31 =	sadd.s32 $0x80, s31;
	v24 =	vsub.bf16 v24, v31;
	v22 =	vand.u32 $0x7FFF7FFF, v21;
	v21 =	vadd.f32 v25, v27  }
0x134: {  	v23 =	vand.u32 $0x7FFF7FFF, v23;
	v26 =	vunpack.i.u.bf16.f32 v22;
	v22 =	vunpack.i.l.bf16.f32 v22  }
0x135: {  	v24 =	vand.u32 $0x7FFF7FFF, v24;
	v27 =	vunpack.i.u.bf16.f32 v23;
	v23 =	vunpack.i.l.bf16.f32 v23  }
0x136: {  	v22 =	vadd.f32 v22, v26;
	v25 =	vunpack.i.u.bf16.f32 v24;
	v24 =	vunpack.i.l.bf16.f32 v24  }
0x137: {  	s0 =	simm.s32 $0x0;
	v23 =	vadd.f32 v23, v27;
	v24 =	vadd.f32 v24, v25  }
0x138: {  	s31 =	simm.s32 $0x1;
	v21 =	vadd.f32 v21, v22;
	v22 =	vadd.s32 s0, v19  }
0x139: {  	v22 =	vand.u32 $0x7F8, v22;
	v23 =	vadd.f32 v23, v24;
	v24 =	vadd.s32 s31, v19  }
0x13a: {  	s30 =	simm.s32 $0x3;
	v22 =	vor.u32 v20, v22  }
0x13b: {  	v25 =	vadd.s32 s30, v19;
	s30 =	simm.s32 $0x6;
	v21 =	vadd.f32 v21, v23  }
0x13c: {  	v27 =	vadd.s32 s30, v19;
	s30 =	simm.s32 $0xA  }
0x13d: {  	v31 =	vadd.s32 s30, v19;
	[tilespmem:s29+$0x11] =	vst v21  }
0x13e: {  	v36 =	vadd.s32 s26, v19;
	s30 =	simm.s32 $0xD;
	v24 =	vld.idx.msk [tilespmem:v24+s20+$0x0], $0xffff  }
0x13f: {  	s25 =	simm.s32 $0x2;
	v34 =	vadd.s32 s30, v19;
	v22 =	vld.idx.msk [tilespmem:v22+s20+$0x0], $0xffff  }
0x140: {  	v23 =	vadd.s32 s25, v19;
	s25 =	simm.s32 $0x5;
	v25 =	vld.idx.msk [tilespmem:v25+s20+$0x0], $0xffff  }
0x141: {  	s31 =	simm.s32 $0x4;
	v26 =	vadd.s32 s25, v19;
	v27 =	vld.idx.msk [tilespmem:v27+s20+$0x0], $0xffff  }
0x142: {  	s25 =	simm.s32 $0x8;
	v21 =	vadd.s32 s31, v19;
	s31 =	simm.s32 $0x7;
	v31 =	vld.idx.msk [tilespmem:v31+s20+$0x0], $0xffff  }
0x143: {  	v28 =	vadd.s32 s25, v19;
	s25 =	simm.s32 $0x9;
	v29 =	vadd.s32 s31, v19;
	v36 =	vld.idx.msk [tilespmem:v36+s20+$0x0], $0xffff  }
0x144: {  	v28 =	vand.u32 $0x7F8, v28;
	v30 =	vadd.s32 s25, v19;
	v34 =	vld.idx.msk [tilespmem:v34+s20+$0x0], $0xffff  }
0x145: {  	s31 =	simm.s32 $0xB;
	v28 =	vor.u32 v20, v28;
	v23 =	vld.idx.msk [tilespmem:v23+s20+$0x0], $0xffff  }
0x146: {  	s25 =	simm.s32 $0xC;
	v32 =	vadd.s32 s31, v19;
	v26 =	vld.idx.msk [tilespmem:v26+s20+$0x0], $0xffff  }
0x147: {  	v33 =	vadd.s32 s25, v19;
	s31 =	simm.s32 $0xE;
	v21 =	vld.idx.msk [tilespmem:v21+s20+$0x0], $0xffff  }
0x148: {  	v35 =	vadd.s32 s31, v19;
	v29 =	vld.idx.msk [tilespmem:v29+s20+$0x0], $0xffff  }
0x149: {  	v30 =	vld.idx.msk [tilespmem:v30+s20+$0x0], $0xffff  }
0x14a: {  	v28 =	vld.idx.msk [tilespmem:v28+s20+$0x0], $0xffff  }
0x14b: {  	v32 =	vld.idx.msk [tilespmem:v32+s20+$0x0], $0xffff  }
0x14c: {  	v33 =	vld.idx.msk [tilespmem:v33+s20+$0x0], $0xffff  }
0x14d: {  	v35 =	vld.idx.msk [tilespmem:v35+s20+$0x0], $0xffff;
	_ =	sdelay $0x1  }
0x14e: {  	v22 =	vadd.f32 v24, v22;
	v23 =	vadd.f32 v25, v23  }
0x14f: {  	v21 =	vadd.f32 v26, v21;
	v24 =	vadd.f32 v29, v27  }
0x150: {  	v25 =	vadd.f32 v30, v28;
	v26 =	vadd.f32 v32, v31  }
0x151: {  	v27 =	vadd.f32 v34, v33;
	v28 =	vadd.f32 v36, v35  }
0x152: {  	v22 =	vadd.f32 v23, v22;
	v21 =	vadd.f32 v24, v21  }
0x153: {  	v23 =	vadd.f32 v26, v25;
	v24 =	vadd.f32 v28, v27;
	_ =	sdelay $0x1  }
0x154: {  	s25 =	simm.s32 $0x110;
	v21 =	vadd.f32 v21, v22;
	v22 =	vadd.f32 v24, v23  }
0x155: {  	s26 =	simm.s32 $0x111;
	v23 =	vadd.s32 s25, v19  }
0x156: {  	v24 =	vadd.s32 s26, v19;
	v23 =	vand.u32 $0x7F8, v23;
	v21 =	vadd.f32 v22, v21  }
0x157: {  	s30 =	simm.s32 $0x112;
	v22 =	vor.u32 v20, v23  }
0x158: {  	s31 =	simm.s32 $0x113;
	v23 =	vadd.s32 s30, v19;
	v21 =	vsub.f32 $1.200000000e+01, v21  }
0x159: {  	v25 =	vadd.s32 s31, v19;
	s25 =	simm.s32 $0x114  }
0x15a: {  	s26 =	simm.s32 $0x115;
	v26 =	vadd.s32 s25, v19;
	[tilespmem:s23+$0x0] =	vst v21  }
0x15b: {  	v27 =	vadd.s32 s26, v19;
	s25 =	simm.s32 $0x118;
	s30 =	simm.s32 $0x116;
	v21 =	vld.idx.msk [tilespmem:v24+s20+$0x0], $0xffff  }
0x15c: {  	s31 =	simm.s32 $0x117;
	v29 =	vadd.s32 s25, v19;
	v28 =	vadd.s32 s30, v19;
	v22 =	vld.idx.msk [tilespmem:v22+s20+$0x0], $0xffff  }
0x15d: {  	v63 =	vadd.s32 s31, v19;
	v29 =	vand.u32 $0x7F8, v29;
	v23 =	vld.idx.msk [tilespmem:v23+s20+$0x0], $0xffff  }
0x15e: {  	s26 =	simm.s32 $0x119;
	v30 =	vor.u32 v20, v29;
	v24 =	vld.idx.msk [tilespmem:v25+s20+$0x0], $0xffff  }
0x15f: {  	s30 =	simm.s32 $0x11A;
	v29 =	vadd.s32 s26, v19;
	v25 =	vld.idx.msk [tilespmem:v26+s20+$0x0], $0xffff  }
0x160: {  	s31 =	simm.s32 $0x11B;
	v32 =	vadd.s32 s30, v19;
	v26 =	vld.idx.msk [tilespmem:v27+s20+$0x0], $0xffff  }
0x161: {  	s28 =	simm.s32 $0x11C;
	s29 =	simm.s32 $0x11D;
	v31 =	vadd.s32 s31, v19;
	v27 =	vld.idx.msk [tilespmem:v28+s20+$0x0], $0xffff  }
0x162: {  	v33 =	vadd.s32 s28, v19;
	s28 =	simm.s32 $0x22F;
	s25 =	smov.u32 s23;
	s26 =	simm.s32 $0x11F;
	v28 =	vld.idx.msk [tilespmem:v63+s20+$0x0], $0xffff  }
.LBB2_10:
0x163: {  	p1 =	seq.s32 s28, $0x33F;
	v30 =	vld.idx.msk [tilespmem:v30+s20+$0x0], $0xffff;
	v34 =	vadd.s32 s29, v19;
	s0 =	sadd.s32 $0xFFFFFFFF, s26  }
0x164: {  	v29 =	vld.idx.msk [tilespmem:v29+s20+$0x0], $0xffff;
	v35 =	vadd.s32 s0, v19  }
0x165: {  	v36 =	vadd.s32 s26, v19;
	s26 =	smov.u32 s28;
	v32 =	vld.idx.msk [tilespmem:v32+s20+$0x0], $0xffff  }
0x166: {  	v31 =	vld.idx.msk [tilespmem:v31+s20+$0x0], $0xffff  }
0x167: {  	v33 =	vld.idx.msk [tilespmem:v33+s20+$0x0], $0xffff  }
0x168: {  	v34 =	vld.idx.msk [tilespmem:v34+s20+$0x0], $0xffff  }
0x169: {  	v35 =	vld.idx.msk [tilespmem:v35+s20+$0x0], $0xffff  }
0x16a: {  	v36 =	vld.idx.msk [tilespmem:v36+s20+$0x0], $0xffff;
	_ =	sdelay $0x2  }
0x16b: {  	v21 =	vadd.f32 v21, v22;
	v22 =	vadd.f32 v24, v23  }
0x16c: {  	v23 =	vadd.f32 v26, v25;
	v24 =	vadd.f32 v28, v27  }
0x16d: {  	v25 =	vadd.f32 v29, v30;
	v26 =	vadd.f32 v31, v32  }
0x16e: {  	v27 =	vadd.f32 v34, v33;
	v28 =	vadd.f32 v36, v35  }
0x16f: {  	v21 =	vadd.f32 v22, v21;
	v22 =	vadd.f32 v24, v23  }
0x170: {  	v23 =	vadd.f32 v26, v25;
	v24 =	vadd.f32 v28, v27;
	_ =	sdelay $0x1  }
0x171: {  	s0 =	sadd.s32 $0xFFFFFFF1, s28;
	v21 =	vadd.f32 v22, v21;
	v22 =	vadd.f32 v24, v23  }
0x172: {  	v23 =	vadd.s32 s0, v19;
	s0 =	sadd.s32 $0xFFFFFFF2, s28  }
0x173: {  	v23 =	vand.u32 $0x7F8, v23;
	v24 =	vadd.s32 s0, v19;
	v21 =	vadd.f32 v22, v21  }
0x174: {  	s0 =	sadd.s32 $0xFFFFFFF3, s28;
	v22 =	vor.u32 v20, v23  }
0x175: {  	v23 =	vadd.s32 s0, v19;
	s0 =	sadd.s32 $0xFFFFFFF4, s28;
	v21 =	vsub.f32 $1.200000000e+01, v21  }
0x176: {  	s25 =	sadd.s32 $0x10, s25;
	v25 =	vadd.s32 s0, v19;
	s0 =	sadd.s32 $0xFFFFFFF5, s28  }
0x177: {  	v26 =	vadd.s32 s0, v19;
	s0 =	sadd.s32 $0xFFFFFFF6, s28;
	[tilespmem:s25+$0x0] =	vst v21  }
0x178: {  	s29 =	sadd.s32 $0xFFFFFFF9, s28;
	v27 =	vadd.s32 s0, v19;
	s0 =	sadd.s32 $0xFFFFFFF7, s28;
	v21 =	vld.idx.msk [tilespmem:v24+s20+$0x0], $0xffff  }
0x179: {  	v28 =	vadd.s32 s0, v19;
	s0 =	sadd.s32 $0xFFFFFFF8, s28;
	v24 =	vadd.s32 s29, v19;
	v22 =	vld.idx.msk [tilespmem:v22+s20+$0x0], $0xffff  }
0x17a: {  	v33 =	vadd.s32 s0, v19;
	v29 =	vand.u32 $0x7F8, v24;
	v23 =	vld.idx.msk [tilespmem:v23+s20+$0x0], $0xffff  }
.Ltmp3:
0x17b: {  	s0 =	sadd.s32 $0xFFFFFFFA, s28;
	v30 =	vor.u32 v20, v29;
	v24 =	vld.idx.msk [tilespmem:v25+s20+$0x0], $0xffff;
	(pc) =	sbr.rel @!p1 .LBB2_10-.Ltmp3, $4  }
0x17c: {  	v29 =	vadd.s32 s0, v19;
	s0 =	sadd.s32 $0xFFFFFFFB, s28;
	v25 =	vld.idx.msk [tilespmem:v26+s20+$0x0], $0xffff  }
0x17d: {  	v32 =	vadd.s32 s0, v19;
	s0 =	sadd.s32 $0xFFFFFFFC, s28;
	v26 =	vld.idx.msk [tilespmem:v27+s20+$0x0], $0xffff  }
0x17e: {  	v31 =	vadd.s32 s0, v19;
	s0 =	sadd.s32 $0xFFFFFFFD, s28;
	v27 =	vld.idx.msk [tilespmem:v28+s20+$0x0], $0xffff  }
0x17f: {  	s29 =	sadd.s32 $0xFFFFFFFE, s26;
	s28 =	sadd.s32 $0x110, s28;
	v28 =	vld.idx.msk [tilespmem:v33+s20+$0x0], $0xffff;
	v33 =	vadd.s32 s0, v19  }
0x180: {  	_ =	sdelay $0x3  }
0x181: {  	v30 =	vld.idx.msk [tilespmem:v30+s20+$0x0], $0xffff;
	v34 =	vadd.s32 s29, v19  }
0x182: {  	s0 =	sadd.s32 $0xFFFFFFFF, s26;
	v29 =	vld.idx.msk [tilespmem:v29+s20+$0x0], $0xffff;
	v36 =	vadd.s32 s26, v19  }
0x183: {  	v32 =	vld.idx.msk [tilespmem:v32+s20+$0x0], $0xffff;
	v35 =	vadd.s32 s0, v19  }
0x184: {  	v31 =	vld.idx.msk [tilespmem:v31+s20+$0x0], $0xffff  }
0x185: {  	v33 =	vld.idx.msk [tilespmem:v33+s20+$0x0], $0xffff  }
0x186: {  	v34 =	vld.idx.msk [tilespmem:v34+s20+$0x0], $0xffff  }
0x187: {  	v36 =	vld.idx.msk [tilespmem:v36+s20+$0x0], $0xffff  }
0x188: {  	v35 =	vld.idx.msk [tilespmem:v35+s20+$0x0], $0xffff;
	_ =	sdelay $0x1  }
0x189: {  	v21 =	vadd.f32 v21, v22;
	v22 =	vadd.f32 v24, v23  }
0x18a: {  	v23 =	vadd.f32 v26, v25;
	v58 =	vadd.f32 v28, v27  }
0x18b: {  	v59 =	vadd.f32 v29, v30;
	v60 =	vadd.f32 v31, v32  }
0x18c: {  	v61 =	vadd.f32 v34, v33;
	v62 =	vadd.f32 v36, v35  }
0x18d: {  	v21 =	vadd.f32 v22, v21;
	v22 =	vadd.f32 v58, v23  }
0x18e: {  	v23 =	vadd.f32 v60, v59;
	v63 =	vadd.f32 v62, v61;
	_ =	sdelay $0x1  }
0x18f: {  	v21 =	vadd.f32 v22, v21;
	v22 =	vadd.f32 v63, v23;
	_ =	sdelay $0x1  }
0x190: {  	v21 =	vadd.f32 v22, v21;
	_ =	sdelay $0x1  }
0x191: {  	v21 =	vsub.f32 $1.200000000e+01, v21  }
0x192: {  	s31 =	sadd.s32 $0x10, s25  }
0x193: {  	[tilespmem:s31+$0x0] =	vst v21  }
0x194: {  	p1 =	seq.s32 s24, $0x8  }
.Ltmp4:
0x195: {  	_ = 	snop;
	(pc) =	sbr.rel @!p1 .LBB2_7-.Ltmp4, $2  }
0x196: {  	_ =	sdelay $0x2  }
0x197: {  	p0 =	por !p0, !p0;
	s23 =	sadd.s32 $0x40, s23  }
0x198: {  	s22 =	sadd.s32 $0x1, s22  }
0x199: {  	p0 =	sne.s32 s22, s8  }
.Ltmp5:
0x19a: {  	_ = 	snop;
	(pc) =	sbr.rel @p0 .LBB2_1-.Ltmp5, $4  }
0x19b: {  	[hbm4b:s7+s3] =	stream.linear.scatter [tilespmem:s21], [sflag:$0x7], $0x200, $0x38;
	[tilespmem:$0xEF40] =	vst v63  }
0x19c: {  	_ =	swait.ge [sflag:s10], $0x200  }
0x19d: {  	[sflag:s10] =	ssyncset.done $0x0  }
0x19e: {  	[sflag:s10] =	ssyncadd.s32 $0xFFFFFE00  }
0x19f: {  	_ =	sfence.sel $0x180000  }
0x1a0: {  	[bflag:$0x0] =	sbarrier.arrive $0xFFFF  }
0x1a1: {  	_ =	strace $0x90000047  }
0x1a2: {  	[bflag:$0x2] =	sbarrier.arrive $0xFFFF  }
0x1a3: {  	p0 =	sne.s32 s2, $0x0;
	s0 =	rddreg [dreg:$0x5]  }
0x1a4: {  	s0 =	sadd.s32 @!p0 $0x100000, s0  }
0x1a5: {  	[sflag:s0] =	ssyncadd.tile.s32 @!p0 $0x1;
	_ =	shalt  }
.Lfunc_end2:
_tile_overlayer_lowered:
.L_overlay_start_2:
0x1a6: {  	(tag) =	ssettag $0x2  }
0x1a7: {  	s0 =	rddreg [dreg:$0x0];
	s2 =	stileid.u32  }
0x1a8: {  	s1 =	rddreg [dreg:$0x1];
	p0 =	sne.s32 s2, $0x0  }
0x1a9: {  	s3 =	rddreg [dreg:$0x2];
	[bflag:$0x3] =	sbarrier.arrive $0xFFFF;
	s2 =	simm.s32 @!p0 $0x1C07  }
0x1aa: {  	[timem:s3], [sflag:s2] =	dma.local @!p0 [hbm:s0], s1  }
0x1ab: {  	s0 =	simm.s32 @!p0 $0x7  }
0x1ac: {  	_ =	swait.ge @!p0 [sflag:s0], s1  }
0x1ad: {  	s1 =	ssub.s32 @!p0 $0x0, s1;
	[sflag:s0] =	ssyncset.done @!p0 $0x0  }
0x1ae: {  	[sflag:s0] =	ssyncadd.s32 @!p0 s1  }
0x1af: {  	[bflag:$0x3] =	sbarrier.arrive $0xFFFF  }
0x1b0: {  	_ =	shalt  }

</sc_bundles>
